<compile_context>
chip_gen: v7x
topology: tpu7x:2x2x1
jax: 0.10.2.dev20260603
libtpu: 0.0.44.dev20260713+nightly
codegen_flags: <defaults>
</compile_context>

<pallas_src>
import functools

import jax
import jax.numpy as jnp
from jax import lax
from jax.experimental import pallas as pl
from jax.experimental.pallas import tpu as pltpu
from jax.experimental.pallas import tpu_sc as plsc

N = 10000
NP = 10240
E = 160000
D = 256
HALF = 128

NC = 2
NS = 16
LANES = 16

CHUNK = 96
NCHUNK = 105
EDGES_PER_TILE = CHUNK * NCHUNK
E_PAD = EDGES_PER_TILE * NS
ROWS_PER_TILE = NP // NS
ROW_STAGE = 80

_mesh = plsc.VectorSubcoreMesh(core_axis_name="c", subcore_axis_name="s")
_sc_params = pltpu.CompilerParams(use_tc_tiling_on_sc=False)


def _load_idx_chunk(dst_ref, src_ref, base):
    for k in range(CHUNK // LANES):
        start = pl.multiple_of(base + k * LANES, LANES)
        dst_ref[pl.ds(k * LANES, LANES)] = src_ref[pl.ds(start, LANES)]


def _spmm_body(src_hbm, dst_hbm, m0_hbm, m1_hbm, out0_hbm, out1_hbm,
               acc_sh, sidx_all, didx_all,
               sidx_a, didx_a, rows_a, sem_a,
               sidx_b, didx_b, rows_b, sem_b):
    c = lax.axis_index("c")
    s = lax.axis_index("s")

    def work(m_hbm, out_hbm):
        ebase = s * EDGES_PER_TILE
        pltpu.sync_copy(src_hbm.at[pl.ds(ebase, EDGES_PER_TILE)], sidx_all)
        pltpu.sync_copy(dst_hbm.at[pl.ds(ebase, EDGES_PER_TILE)], didx_all)
        nstage = ROWS_PER_TILE // ROW_STAGE
        bufs = [(rows_a, sem_a), (rows_b, sem_b)]

        def stg(j):
            return pl.ds(s * ROWS_PER_TILE + j * ROW_STAGE, ROW_STAGE)

        pltpu.async_copy(m_hbm.at[stg(0)], rows_a.at[pl.ds(0, ROW_STAGE)],
                         sem_a)
        for j in range(nstage):
            buf, sem = bufs[j % 2]
            nbuf, nsem = bufs[(j + 1) % 2]
            if j + 1 < nstage:
                pltpu.async_copy(m_hbm.at[stg(j + 1)],
                                 nbuf.at[pl.ds(0, ROW_STAGE)], nsem)
            pltpu.make_async_copy(m_hbm.at[stg(j)],
                                  buf.at[pl.ds(0, ROW_STAGE)], sem).wait()
            pltpu.sync_copy(buf.at[pl.ds(0, ROW_STAGE)], acc_sh.at[stg(j)])
        plsc.subcore_barrier()

        def start_gather(idx_ref, rows_ref, sem, chunk):
            _load_idx_chunk(idx_ref, sidx_all, chunk * CHUNK)
            pltpu.async_copy(m_hbm.at[idx_ref], rows_ref, sem)

        start_gather(sidx_a, rows_a, sem_a, 0)

        def pair_body(j, _):
            i0 = j * 2
            start_gather(sidx_b, rows_b, sem_b, i0 + 1)
            pltpu.make_async_copy(m_hbm.at[sidx_a], rows_a, sem_a).wait()
            _load_idx_chunk(didx_a, didx_all, i0 * CHUNK)
            pltpu.sync_copy(rows_a, acc_sh.at[didx_a], add=True)
            start_gather(sidx_a, rows_a, sem_a, i0 + 2)
            pltpu.make_async_copy(m_hbm.at[sidx_b], rows_b, sem_b).wait()
            _load_idx_chunk(didx_b, didx_all, (i0 + 1) * CHUNK)
            pltpu.sync_copy(rows_b, acc_sh.at[didx_b], add=True)
            return 0

        lax.fori_loop(0, (NCHUNK - 1) // 2, pair_body, 0)
        pltpu.make_async_copy(m_hbm.at[sidx_a], rows_a, sem_a).wait()
        _load_idx_chunk(didx_a, didx_all, (NCHUNK - 1) * CHUNK)
        pltpu.sync_copy(rows_a, acc_sh.at[didx_a], add=True)
        plsc.subcore_barrier()
        for j in range(nstage):
            buf, sem = bufs[j % 2]
            if j >= 2:
                pltpu.make_async_copy(buf.at[pl.ds(0, ROW_STAGE)],
                                      out_hbm.at[stg(j - 2)], sem).wait()
            pltpu.sync_copy(acc_sh.at[stg(j)], buf.at[pl.ds(0, ROW_STAGE)])
            pltpu.async_copy(buf.at[pl.ds(0, ROW_STAGE)], out_hbm.at[stg(j)],
                             sem)
        pltpu.make_async_copy(rows_a.at[pl.ds(0, ROW_STAGE)],
                              out_hbm.at[stg(nstage - 2)], sem_a).wait()
        pltpu.make_async_copy(rows_b.at[pl.ds(0, ROW_STAGE)],
                              out_hbm.at[stg(nstage - 1)], sem_b).wait()

    @pl.when(c == 0)
    def _():
        work(m0_hbm, out0_hbm)

    @pl.when(c == 1)
    def _():
        work(m1_hbm, out1_hbm)


@functools.partial(jax.jit, donate_argnums=())
def _sc_spmm(src, dst, m0, m1):
    return pl.kernel(
        _spmm_body,
        out_type=(
            jax.ShapeDtypeStruct((NP, HALF), jnp.float32),
            jax.ShapeDtypeStruct((NP, HALF), jnp.float32),
        ),
        mesh=_mesh,
        scratch_types=[
            pltpu.VMEM_SHARED((NP, HALF), jnp.float32),
            pltpu.VMEM((EDGES_PER_TILE,), jnp.int32),
            pltpu.VMEM((EDGES_PER_TILE,), jnp.int32),
            pltpu.VMEM((CHUNK,), jnp.int32),
            pltpu.VMEM((CHUNK,), jnp.int32),
            pltpu.VMEM((CHUNK, HALF), jnp.float32),
            pltpu.SemaphoreType.DMA,
            pltpu.VMEM((CHUNK,), jnp.int32),
            pltpu.VMEM((CHUNK,), jnp.int32),
            pltpu.VMEM((CHUNK, HALF), jnp.float32),
            pltpu.SemaphoreType.DMA,
        ],
        compiler_params=_sc_params,
    )(src, dst, m0, m1)


def _deg_body(dst_hbm, degp_hbm, acc_sh, stage_v, didx_all, didx_c,
              ones_v, zeros_v, didx_d, sem_c, sem_d):
    c = lax.axis_index("c")
    s = lax.axis_index("s")

    def fill(i, _):
        ones_v[i] = jnp.ones((LANES,), jnp.float32)
        return 0

    lax.fori_loop(0, CHUNK, fill, 0)

    def zfill(i, _):
        zeros_v[i] = jnp.zeros((LANES,), jnp.float32)
        return 0

    lax.fori_loop(0, ROWS_PER_TILE, zfill, 0)
    pltpu.sync_copy(zeros_v, acc_sh.at[pl.ds(s * ROWS_PER_TILE, ROWS_PER_TILE)])
    pltpu.sync_copy(dst_hbm.at[pl.ds(s * EDGES_PER_TILE, EDGES_PER_TILE)],
                    didx_all)
    plsc.subcore_barrier()

    def issue(didx_ref, sem, chunk):
        _load_idx_chunk(didx_ref, didx_all, chunk * CHUNK)
        pltpu.async_copy(ones_v, acc_sh.at[didx_ref], sem, add=True)

    def drain(didx_ref, sem):
        pltpu.make_async_copy(ones_v, acc_sh.at[didx_ref], sem).wait()

    issue(didx_c, sem_c, 0)
    issue(didx_d, sem_d, 1)

    def pair_body(j, _):
        drain(didx_c, sem_c)
        issue(didx_c, sem_c, 2 * j)
        drain(didx_d, sem_d)
        issue(didx_d, sem_d, 2 * j + 1)
        return 0

    lax.fori_loop(1, (NCHUNK - 1) // 2, pair_body, 0)
    drain(didx_c, sem_c)
    issue(didx_c, sem_c, NCHUNK - 1)
    drain(didx_d, sem_d)
    drain(didx_c, sem_c)
    plsc.subcore_barrier()
    rbase = s * ROWS_PER_TILE
    pltpu.sync_copy(acc_sh.at[pl.ds(rbase, ROWS_PER_TILE)], stage_v)
    pltpu.sync_copy(stage_v, degp_hbm.at[c].at[pl.ds(rbase, ROWS_PER_TILE)])


@jax.jit
def _sc_degree(dst):
    return pl.kernel(
        _deg_body,
        out_type=jax.ShapeDtypeStruct((NC, NP, LANES), jnp.float32),
        mesh=_mesh,
        scratch_types=[
            pltpu.VMEM_SHARED((NP, LANES), jnp.float32),
            pltpu.VMEM((ROWS_PER_TILE, LANES), jnp.float32),
            pltpu.VMEM((EDGES_PER_TILE,), jnp.int32),
            pltpu.VMEM((CHUNK,), jnp.int32),
            pltpu.VMEM((CHUNK, LANES), jnp.float32),
            pltpu.VMEM((ROWS_PER_TILE, LANES), jnp.float32),
            pltpu.VMEM((CHUNK,), jnp.int32),
            pltpu.SemaphoreType.DMA,
            pltpu.SemaphoreType.DMA,
        ],
        compiler_params=_sc_params,
    )(dst)



_RB = 1024
_GRID = NP // _RB


def _dinv_from_degp(dg_blk):
    deg = jnp.sum(dg_blk, axis=(0, 2)) * (1.0 / 32.0) + 1.0
    return lax.rsqrt(jnp.maximum(deg, 1.0))


def _pre_body(dg_ref, x_ref, w_ref, m0_ref, m1_ref):
    dinv = _dinv_from_degp(dg_ref[...])
    h = jnp.dot(x_ref[...], w_ref[...], preferred_element_type=jnp.float32)
    m = h * dinv[:, None]
    m0_ref[...] = m[:, :HALF]
    m1_ref[...] = m[:, HALF:]


def _mid_body(dg_ref, x_ref, a0_ref, a1_ref, w_ref, xn_ref, m0_ref, m1_ref):
    dinv = _dinv_from_degp(dg_ref[...])
    g = jnp.concatenate([a0_ref[...], a1_ref[...]], axis=1) * dinv[:, None]
    xn = x_ref[...] + jnp.maximum(g, 0.0)
    xn_ref[...] = xn
    h = jnp.dot(xn, w_ref[...], preferred_element_type=jnp.float32)
    m = h * dinv[:, None]
    m0_ref[...] = m[:, :HALF]
    m1_ref[...] = m[:, HALF:]


def _post_body(dg_ref, x_ref, a0_ref, a1_ref, out_ref):
    dinv = _dinv_from_degp(dg_ref[...])
    g = jnp.concatenate([a0_ref[...], a1_ref[...]], axis=1) * dinv[:, None]
    xn = x_ref[...] + jnp.maximum(g, 0.0)
    nrm = jnp.sqrt(jnp.sum(xn * xn, axis=1, keepdims=True))
    out_ref[...] = xn / jnp.maximum(nrm, 1e-12)


_dg_spec = pl.BlockSpec((NC, _RB, LANES), lambda i: (0, i, 0))
_x_spec = pl.BlockSpec((_RB, D), lambda i: (i, 0))
_h_spec = pl.BlockSpec((_RB, HALF), lambda i: (i, 0))
_w_spec = pl.BlockSpec((D, D), lambda i: (0, 0))


def _tc_pre(degp, x, w):
    return pl.pallas_call(
        _pre_body,
        grid=(_GRID,),
        in_specs=[_dg_spec, _x_spec, _w_spec],
        out_specs=[_h_spec, _h_spec],
        out_shape=[jax.ShapeDtypeStruct((NP, HALF), jnp.float32)] * 2,
    )(degp, x, w)


def _tc_mid(degp, x, a0, a1, w):
    return pl.pallas_call(
        _mid_body,
        grid=(_GRID,),
        in_specs=[_dg_spec, _x_spec, _h_spec, _h_spec, _w_spec],
        out_specs=[_x_spec, _h_spec, _h_spec],
        out_shape=[jax.ShapeDtypeStruct((NP, D), jnp.float32),
                   jax.ShapeDtypeStruct((NP, HALF), jnp.float32),
                   jax.ShapeDtypeStruct((NP, HALF), jnp.float32)],
    )(degp, x, a0, a1, w)


def _tc_post(degp, x, a0, a1):
    return pl.pallas_call(
        _post_body,
        grid=(_GRID,),
        in_specs=[_dg_spec, _x_spec, _h_spec, _h_spec],
        out_specs=_x_spec,
        out_shape=jax.ShapeDtypeStruct((NP, D), jnp.float32),
    )(degp, x, a0, a1)


def kernel(x, edge_index, W0, W1, W2):
    pad_e = N + (jnp.arange(E_PAD - E, dtype=jnp.int32) % (NP - N))
    src = jnp.concatenate([edge_index[0], pad_e])
    dst = jnp.concatenate([edge_index[1], pad_e])
    xp = jnp.pad(x, ((0, NP - N), (0, 0)))
    degp = _sc_degree(dst)
    m0, m1 = _tc_pre(degp, xp, W0)
    a0, a1 = _sc_spmm(src, dst, m0, m1)
    x1, m0, m1 = _tc_mid(degp, xp, a0, a1, W1)
    a0, a1 = _sc_spmm(src, dst, m0, m1)
    x2, m0, m1 = _tc_mid(degp, x1, a0, a1, W2)
    a0, a1 = _sc_spmm(src, dst, m0, m1)
    return _tc_post(degp, x2, a0, a1)[:N]

# --- scband reference (transcript-rebuilt; emitter-appended) ---
"""Pipeline reference for scband-gnnstack-stage-26542897889319 (READ-ONLY COPY).

The authoritative reference and input builder live on the scoring server;
editing this copy changes nothing except your own understanding.
"""

import jax, jax.numpy as jnp
import numpy as np

N = 10000
E = 160000
D = 256
L = 3


def setup_inputs(seed: int = 0):
    key = jax.random.key(seed)
    ks = jax.random.split(key, 2 + L)
    x = jax.random.normal(ks[0], (N, D), dtype=jnp.float32)
    edge_index = jax.random.randint(ks[1], (2, E), 0, N, dtype=jnp.int32)
    inp = {"x": x, "edge_index": edge_index}
    for i in range(L):
        inp[f"W{i}"] = jax.random.normal(ks[2 + i], (D, D), dtype=jnp.float32) * (1.0 / np.sqrt(D))
    return inp


def _gcn_conv(x, W, src, dst, n):
    # GCNConv, no bias: symmetric-normalized aggregation with self-loops
    h = x @ W
    loop = jnp.arange(n, dtype=src.dtype)
    src2 = jnp.concatenate([src, loop])
    dst2 = jnp.concatenate([dst, loop])
    deg = jnp.zeros((n,), dtype=h.dtype).at[dst2].add(1.0)
    dinv = jax.lax.rsqrt(jnp.maximum(deg, 1.0))
    norm = dinv[src2] * dinv[dst2]
    msg = h[src2] * norm[:, None]
    out = jnp.zeros_like(h).at[dst2].add(msg)
    return out


def reference(x, edge_index, W0, W1, W2):
    # GNNStackStage with stage_type='skipsum', layer_type='gcnconv',
    # has_bias=False, ReLU activation on every layer (act_on_last_layer_mp=True),
    # final L2 normalization (cfg.gnn.l2norm=True)
    src = edge_index[0]
    dst = edge_index[1]
    Ws = [W0, W1, W2]
    for i in range(L):
        x_in = x
        h = _gcn_conv(x, Ws[i], src, dst, N)
        h = jax.nn.relu(h)
        x = x_in + h  # skipsum
    x = x / jnp.maximum(jnp.linalg.norm(x, axis=-1, keepdims=True), 1e-12)
    return x

if __name__ == "__main__":
    import jax
    _d = setup_inputs()
    print(jax.jit(kernel)(*tuple(_d.values())))

</pallas_src>

<mosaic_0001>
#map = affine_map<(d0, d1) -> (0)>
#map1 = affine_map<(d0, d1) -> (0, 0, 0)>
module attributes {stable_mosaic.version = 14 : i64} {
  func.func @_deg_body(%arg0: i32, %arg1: i32, %arg2: memref<161280xi32, #tpu.memory_space<hbm>>, %arg3: memref<2x10240x16xf32, #tpu.memory_space<hbm>>, %arg4: memref<10240x16xf32, #tpu.memory_space<vmem_shared>>, %arg5: memref<640x16xf32, #tpu.memory_space<vmem>>, %arg6: memref<10080xi32, #tpu.memory_space<vmem>>, %arg7: memref<96xi32, #tpu.memory_space<vmem>>, %arg8: memref<96x16xf32, #tpu.memory_space<vmem>>, %arg9: memref<640x16xf32, #tpu.memory_space<vmem>>, %arg10: memref<96xi32, #tpu.memory_space<vmem>>, %arg11: memref<!tpu.dma_semaphore, #tpu.memory_space<semaphore_mem>>, %arg12: memref<!tpu.dma_semaphore, #tpu.memory_space<semaphore_mem>>) attributes {dimension_semantics = [#tpu.dimension_semantics<core_parallel>, #tpu.dimension_semantics<subcore_parallel>], iteration_bounds = array<i64: 2, 16>, scalar_prefetch = 0 : i64, scratch_operands = 9 : i64, tpu.core_type = #tpu.core_type<sc_vector_subcore>, window_params = [{transform_indices = #map}, {transform_indices = #map1}]} {
    %scan3A = arith.constant 0 : i32
    %scan3A_0 = arith.constant 0 : i32
    %scan3A_1 = arith.constant 96 : i32
    %scan3A_2 = arith.addi %scan3A_0, %scan3A_1 : i32
    %scan3A_3 = arith.constant 1 : i32
    %scan3A_4 = scf.for %scan3A_201 = %scan3A_0 to %scan3A_2 step %scan3A_3 iter_args(%scan3A_202 = %scan3A) -> (i32)  : i32 {
      %broadcast_in_dim3A = arith.constant 1.000000e+00 : f32
      %broadcast_in_dim3A_203 = vector.broadcast %broadcast_in_dim3A : f32 to vector<16xf32>
      %swap3A_204 = arith.index_cast %scan3A_201 : i32 to index
      %swap3A_205 = arith.constant 0 : index
      %swap3A_206 = tpu.vector_load %arg8[%swap3A_204, %swap3A_205] {strides = array<i32>} : memref<96x16xf32, #tpu.memory_space<vmem>>, vector<1x16xf32>,
      %swap3A_207 = vector.shape_cast %swap3A_206 : vector<1x16xf32> to vector<16xf32>
      %swap3A_208 = vector.shape_cast %broadcast_in_dim3A_203 : vector<16xf32> to vector<1x16xf32>
      tpu.vector_store %arg8[%swap3A_204, %swap3A_205], %swap3A_208 {strides = array<i32>} : memref<96x16xf32, #tpu.memory_space<vmem>>, vector<1x16xf32>,
      %scan3A_209 = arith.constant 0 : i32
      scf.yield %scan3A_209 : i32
    }
    %scan3A_5 = arith.constant 96 : i32
    %scan3A_6 = arith.constant 0 : i32
    %scan3A_7 = arith.constant 0 : i32
    %scan3A_8 = arith.constant 640 : i32
    %scan3A_9 = arith.addi %scan3A_7, %scan3A_8 : i32
    %scan3A_10 = arith.constant 1 : i32
    %scan3A_11 = scf.for %scan3A_201 = %scan3A_7 to %scan3A_9 step %scan3A_10 iter_args(%scan3A_202 = %scan3A_6) -> (i32)  : i32 {
      %broadcast_in_dim3A = arith.constant 0.000000e+00 : f32
      %broadcast_in_dim3A_203 = vector.broadcast %broadcast_in_dim3A : f32 to vector<16xf32>
      %swap3A_204 = arith.index_cast %scan3A_201 : i32 to index
      %swap3A_205 = arith.constant 0 : index
      %swap3A_206 = tpu.vector_load %arg9[%swap3A_204, %swap3A_205] {strides = array<i32>} : memref<640x16xf32, #tpu.memory_space<vmem>>, vector<1x16xf32>,
      %swap3A_207 = vector.shape_cast %swap3A_206 : vector<1x16xf32> to vector<16xf32>
      %swap3A_208 = vector.shape_cast %broadcast_in_dim3A_203 : vector<16xf32> to vector<1x16xf32>
      tpu.vector_store %arg9[%swap3A_204, %swap3A_205], %swap3A_208 {strides = array<i32>} : memref<640x16xf32, #tpu.memory_space<vmem>>, vector<1x16xf32>,
      %scan3A_209 = arith.constant 0 : i32
      scf.yield %scan3A_209 : i32
    }
    %scan3A_12 = arith.constant 640 : i32
    %mul3A = arith.constant 640 : i32
    %mul3A_13 = arith.muli %arg1, %mul3A : i32
    "tpu.region"() ({
      %run_scoped3A = tpu.sem_alloc : memref<!tpu.dma_semaphore, #tpu.memory_space<semaphore_mem>>
      %dma_start3A_201 = arith.constant 0 : i32
      %dma_start3A_202 = tpu.memref_slice %arg4[%mul3A_13, %dma_start3A_201] : memref<10240x16xf32, #tpu.memory_space<vmem_shared>> -> memref<640x16xf32, #tpu.memory_space<vmem_shared>>
      %dma_start3A_203 = arith.constant 0 : i32
      %dma_start3A_204 = tpu.memref_slice %arg4[%mul3A_13, %dma_start3A_203] : memref<10240x16xf32, #tpu.memory_space<vmem_shared>> -> memref<640x16xf32, #tpu.memory_space<vmem_shared>>
      tpu.enqueue_dma source(%arg9 : memref<640x16xf32, #tpu.memory_space<vmem>>) target(%dma_start3A_204 : memref<640x16xf32, #tpu.memory_space<vmem_shared>>) target_semaphore(%run_scoped3A : memref<!tpu.dma_semaphore, #tpu.memory_space<semaphore_mem>>)
      %dma_wait3A_205 = arith.constant 0 : i32
      %dma_wait3A_206 = tpu.memref_slice %arg4[%mul3A_13, %dma_wait3A_205] : memref<10240x16xf32, #tpu.memory_space<vmem_shared>> -> memref<640x16xf32, #tpu.memory_space<vmem_shared>>
      %dma_wait3A_207 = arith.constant 0 : i32
      %dma_wait3A_208 = tpu.memref_slice %arg4[%mul3A_13, %dma_wait3A_207] : memref<10240x16xf32, #tpu.memory_space<vmem_shared>> -> memref<640x16xf32, #tpu.memory_space<vmem_shared>>
      tpu.wait_dma2 semaphore(%run_scoped3A : memref<!tpu.dma_semaphore, #tpu.memory_space<semaphore_mem>>) src(%arg9 : memref<640x16xf32, #tpu.memory_space<vmem>>) dst(%dma_wait3A_208 : memref<640x16xf32, #tpu.memory_space<vmem_shared>>)
      tpu.yield
    }) : () -> ()
    %mul3A_14 = arith.constant 10080 : i32
    %mul3A_15 = arith.muli %arg1, %mul3A_14 : i32
    "tpu.region"() ({
      %run_scoped3A = tpu.sem_alloc : memref<!tpu.dma_semaphore, #tpu.memory_space<semaphore_mem>>
      %dma_start3A_201 = tpu.memref_slice %arg2[%mul3A_15] : memref<161280xi32, #tpu.memory_space<hbm>> -> memref<10080xi32, #tpu.memory_space<hbm>>
      %dma_start3A_202 = tpu.memref_slice %arg2[%mul3A_15] : memref<161280xi32, #tpu.memory_space<hbm>> -> memref<10080xi32, #tpu.memory_space<hbm>>
      tpu.enqueue_dma source(%dma_start3A_202 : memref<10080xi32, #tpu.memory_space<hbm>>) target(%arg6 : memref<10080xi32, #tpu.memory_space<vmem>>) target_semaphore(%run_scoped3A : memref<!tpu.dma_semaphore, #tpu.memory_space<semaphore_mem>>)
      %dma_wait3A_203 = tpu.memref_slice %arg2[%mul3A_15] : memref<161280xi32, #tpu.memory_space<hbm>> -> memref<10080xi32, #tpu.memory_space<hbm>>
      %dma_wait3A_204 = tpu.memref_slice %arg2[%mul3A_15] : memref<161280xi32, #tpu.memory_space<hbm>> -> memref<10080xi32, #tpu.memory_space<hbm>>
      tpu.wait_dma2 semaphore(%run_scoped3A : memref<!tpu.dma_semaphore, #tpu.memory_space<semaphore_mem>>) src(%dma_wait3A_204 : memref<10080xi32, #tpu.memory_space<hbm>>) dst(%arg6 : memref<10080xi32, #tpu.memory_space<vmem>>)
      tpu.yield
    }) : () -> ()
    %barrier3A = arith.constant 0 : index
    tpu.barrier barrier_id(%barrier3A)
    %multiple_of3A = arith.constant 0 : i32
    %multiple_of3A_16 = tpu.assume_multiple %multiple_of3A, 16 : i32
    %get3A = arith.index_cast %multiple_of3A_16 : i32 to index
    %get3A_17 = tpu.vector_load %arg6[%get3A] {strides = array<i32>} : memref<10080xi32, #tpu.memory_space<vmem>>, vector<16xi32>,
    %get3A_18 = vector.shape_cast %get3A_17 : vector<16xi32> to vector<16xi32>
    %swap3A = arith.constant 0 : index
    %swap3A_19 = tpu.vector_load %arg7[%swap3A] {strides = array<i32>} : memref<96xi32, #tpu.memory_space<vmem>>, vector<16xi32>,
    %swap3A_20 = vector.shape_cast %swap3A_19 : vector<16xi32> to vector<16xi32>
    %swap3A_21 = vector.shape_cast %get3A_18 : vector<16xi32> to vector<16xi32>
    tpu.vector_store %arg7[%swap3A], %swap3A_21 {strides = array<i32>} : memref<96xi32, #tpu.memory_space<vmem>>, vector<16xi32>,
    %multiple_of3A_22 = arith.constant 16 : i32
    %multiple_of3A_23 = tpu.assume_multiple %multiple_of3A_22, 16 : i32
    %get3A_24 = arith.index_cast %multiple_of3A_23 : i32 to index
    %get3A_25 = tpu.vector_load %arg6[%get3A_24] {strides = array<i32>} : memref<10080xi32, #tpu.memory_space<vmem>>, vector<16xi32>,
    %get3A_26 = vector.shape_cast %get3A_25 : vector<16xi32> to vector<16xi32>
    %swap3A_27 = arith.constant 16 : index
    %swap3A_28 = tpu.vector_load %arg7[%swap3A_27] {strides = array<i32>} : memref<96xi32, #tpu.memory_space<vmem>>, vector<16xi32>,
    %swap3A_29 = vector.shape_cast %swap3A_28 : vector<16xi32> to vector<16xi32>
    %swap3A_30 = vector.shape_cast %get3A_26 : vector<16xi32> to vector<16xi32>
    tpu.vector_store %arg7[%swap3A_27], %swap3A_30 {strides = array<i32>} : memref<96xi32, #tpu.memory_space<vmem>>, vector<16xi32>,
    %multiple_of3A_31 = arith.constant 32 : i32
    %multiple_of3A_32 = tpu.assume_multiple %multiple_of3A_31, 16 : i32
    %get3A_33 = arith.index_cast %multiple_of3A_32 : i32 to index
    %get3A_34 = tpu.vector_load %arg6[%get3A_33] {strides = array<i32>} : memref<10080xi32, #tpu.memory_space<vmem>>, vector<16xi32>,
    %get3A_35 = vector.shape_cast %get3A_34 : vector<16xi32> to vector<16xi32>
    %swap3A_36 = arith.constant 32 : index
    %swap3A_37 = tpu.vector_load %arg7[%swap3A_36] {strides = array<i32>} : memref<96xi32, #tpu.memory_space<vmem>>, vector<16xi32>,
    %swap3A_38 = vector.shape_cast %swap3A_37 : vector<16xi32> to vector<16xi32>
    %swap3A_39 = vector.shape_cast %get3A_35 : vector<16xi32> to vector<16xi32>
    tpu.vector_store %arg7[%swap3A_36], %swap3A_39 {strides = array<i32>} : memref<96xi32, #tpu.memory_space<vmem>>, vector<16xi32>,
    %multiple_of3A_40 = arith.constant 48 : i32
    %multiple_of3A_41 = tpu.assume_multiple %multiple_of3A_40, 16 : i32
    %get3A_42 = arith.index_cast %multiple_of3A_41 : i32 to index
    %get3A_43 = tpu.vector_load %arg6[%get3A_42] {strides = array<i32>} : memref<10080xi32, #tpu.memory_space<vmem>>, vector<16xi32>,
    %get3A_44 = vector.shape_cast %get3A_43 : vector<16xi32> to vector<16xi32>
    %swap3A_45 = arith.constant 48 : index
    %swap3A_46 = tpu.vector_load %arg7[%swap3A_45] {strides = array<i32>} : memref<96xi32, #tpu.memory_space<vmem>>, vector<16xi32>,
    %swap3A_47 = vector.shape_cast %swap3A_46 : vector<16xi32> to vector<16xi32>
    %swap3A_48 = vector.shape_cast %get3A_44 : vector<16xi32> to vector<16xi32>
    tpu.vector_store %arg7[%swap3A_45], %swap3A_48 {strides = array<i32>} : memref<96xi32, #tpu.memory_space<vmem>>, vector<16xi32>,
    %multiple_of3A_49 = arith.constant 64 : i32
    %multiple_of3A_50 = tpu.assume_multiple %multiple_of3A_49, 16 : i32
    %get3A_51 = arith.index_cast %multiple_of3A_50 : i32 to index
    %get3A_52 = tpu.vector_load %arg6[%get3A_51] {strides = array<i32>} : memref<10080xi32, #tpu.memory_space<vmem>>, vector<16xi32>,
    %get3A_53 = vector.shape_cast %get3A_52 : vector<16xi32> to vector<16xi32>
    %swap3A_54 = arith.constant 64 : index
    %swap3A_55 = tpu.vector_load %arg7[%swap3A_54] {strides = array<i32>} : memref<96xi32, #tpu.memory_space<vmem>>, vector<16xi32>,
    %swap3A_56 = vector.shape_cast %swap3A_55 : vector<16xi32> to vector<16xi32>
    %swap3A_57 = vector.shape_cast %get3A_53 : vector<16xi32> to vector<16xi32>
    tpu.vector_store %arg7[%swap3A_54], %swap3A_57 {strides = array<i32>} : memref<96xi32, #tpu.memory_space<vmem>>, vector<16xi32>,
    %multiple_of3A_58 = arith.constant 80 : i32
    %multiple_of3A_59 = tpu.assume_multiple %multiple_of3A_58, 16 : i32
    %get3A_60 = arith.index_cast %multiple_of3A_59 : i32 to index
    %get3A_61 = tpu.vector_load %arg6[%get3A_60] {strides = array<i32>} : memref<10080xi32, #tpu.memory_space<vmem>>, vector<16xi32>,
    %get3A_62 = vector.shape_cast %get3A_61 : vector<16xi32> to vector<16xi32>
    %swap3A_63 = arith.constant 80 : index
    %swap3A_64 = tpu.vector_load %arg7[%swap3A_63] {strides = array<i32>} : memref<96xi32, #tpu.memory_space<vmem>>, vector<16xi32>,
    %swap3A_65 = vector.shape_cast %swap3A_64 : vector<16xi32> to vector<16xi32>
    %swap3A_66 = vector.shape_cast %get3A_62 : vector<16xi32> to vector<16xi32>
    tpu.vector_store %arg7[%swap3A_63], %swap3A_66 {strides = array<i32>} : memref<96xi32, #tpu.memory_space<vmem>>, vector<16xi32>,
    %dma_start3A = arith.constant 0 : i32
    %dma_start3A_67 = arith.constant 0 : i32
    %dma_start3A_68 = tpu.memref_slice %arg4[%dma_start3A, %dma_start3A_67] : memref<10240x16xf32, #tpu.memory_space<vmem_shared>> -> memref<10240x16xf32, #tpu.memory_space<vmem_shared>>
    tpu.enqueue_indirect_dma source(%arg8 : memref<96x16xf32, #tpu.memory_space<vmem>>) target(%dma_start3A_68 : memref<10240x16xf32, #tpu.memory_space<vmem_shared>>) offsets(%arg7 : memref<96xi32, #tpu.memory_space<vmem>>) semaphore(%arg11 : memref<!tpu.dma_semaphore, #tpu.memory_space<semaphore_mem>>) {add = true}
    %multiple_of3A_69 = arith.constant 96 : i32
    %multiple_of3A_70 = tpu.assume_multiple %multiple_of3A_69, 16 : i32
    %get3A_71 = arith.index_cast %multiple_of3A_70 : i32 to index
    %get3A_72 = tpu.vector_load %arg6[%get3A_71] {strides = array<i32>} : memref<10080xi32, #tpu.memory_space<vmem>>, vector<16xi32>,
    %get3A_73 = vector.shape_cast %get3A_72 : vector<16xi32> to vector<16xi32>
    %swap3A_74 = arith.constant 0 : index
    %swap3A_75 = tpu.vector_load %arg10[%swap3A_74] {strides = array<i32>} : memref<96xi32, #tpu.memory_space<vmem>>, vector<16xi32>,
    %swap3A_76 = vector.shape_cast %swap3A_75 : vector<16xi32> to vector<16xi32>
    %swap3A_77 = vector.shape_cast %get3A_73 : vector<16xi32> to vector<16xi32>
    tpu.vector_store %arg10[%swap3A_74], %swap3A_77 {strides = array<i32>} : memref<96xi32, #tpu.memory_space<vmem>>, vector<16xi32>,
    %multiple_of3A_78 = arith.constant 112 : i32
    %multiple_of3A_79 = tpu.assume_multiple %multiple_of3A_78, 16 : i32
    %get3A_80 = arith.index_cast %multiple_of3A_79 : i32 to index
    %get3A_81 = tpu.vector_load %arg6[%get3A_80] {strides = array<i32>} : memref<10080xi32, #tpu.memory_space<vmem>>, vector<16xi32>,
    %get3A_82 = vector.shape_cast %get3A_81 : vector<16xi32> to vector<16xi32>
    %swap3A_83 = arith.constant 16 : index
    %swap3A_84 = tpu.vector_load %arg10[%swap3A_83] {strides = array<i32>} : memref<96xi32, #tpu.memory_space<vmem>>, vector<16xi32>,
    %swap3A_85 = vector.shape_cast %swap3A_84 : vector<16xi32> to vector<16xi32>
    %swap3A_86 = vector.shape_cast %get3A_82 : vector<16xi32> to vector<16xi32>
    tpu.vector_store %arg10[%swap3A_83], %swap3A_86 {strides = array<i32>} : memref<96xi32, #tpu.memory_space<vmem>>, vector<16xi32>,
    %multiple_of3A_87 = arith.constant 128 : i32
    %multiple_of3A_88 = tpu.assume_multiple %multiple_of3A_87, 16 : i32
    %get3A_89 = arith.index_cast %multiple_of3A_88 : i32 to index
    %get3A_90 = tpu.vector_load %arg6[%get3A_89] {strides = array<i32>} : memref<10080xi32, #tpu.memory_space<vmem>>, vector<16xi32>,
    %get3A_91 = vector.shape_cast %get3A_90 : vector<16xi32> to vector<16xi32>
    %swap3A_92 = arith.constant 32 : index
    %swap3A_93 = tpu.vector_load %arg10[%swap3A_92] {strides = array<i32>} : memref<96xi32, #tpu.memory_space<vmem>>, vector<16xi32>,
    %swap3A_94 = vector.shape_cast %swap3A_93 : vector<16xi32> to vector<16xi32>
    %swap3A_95 = vector.shape_cast %get3A_91 : vector<16xi32> to vector<16xi32>
    tpu.vector_store %arg10[%swap3A_92], %swap3A_95 {strides = array<i32>} : memref<96xi32, #tpu.memory_space<vmem>>, vector<16xi32>,
    %multiple_of3A_96 = arith.constant 144 : i32
    %multiple_of3A_97 = tpu.assume_multiple %multiple_of3A_96, 16 : i32
    %get3A_98 = arith.index_cast %multiple_of3A_97 : i32 to index
    %get3A_99 = tpu.vector_load %arg6[%get3A_98] {strides = array<i32>} : memref<10080xi32, #tpu.memory_space<vmem>>, vector<16xi32>,
    %get3A_100 = vector.shape_cast %get3A_99 : vector<16xi32> to vector<16xi32>
    %swap3A_101 = arith.constant 48 : index
    %swap3A_102 = tpu.vector_load %arg10[%swap3A_101] {strides = array<i32>} : memref<96xi32, #tpu.memory_space<vmem>>, vector<16xi32>,
    %swap3A_103 = vector.shape_cast %swap3A_102 : vector<16xi32> to vector<16xi32>
    %swap3A_104 = vector.shape_cast %get3A_100 : vector<16xi32> to vector<16xi32>
    tpu.vector_store %arg10[%swap3A_101], %swap3A_104 {strides = array<i32>} : memref<96xi32, #tpu.memory_space<vmem>>, vector<16xi32>,
    %multiple_of3A_105 = arith.constant 160 : i32
    %multiple_of3A_106 = tpu.assume_multiple %multiple_of3A_105, 16 : i32
    %get3A_107 = arith.index_cast %multiple_of3A_106 : i32 to index
    %get3A_108 = tpu.vector_load %arg6[%get3A_107] {strides = array<i32>} : memref<10080xi32, #tpu.memory_space<vmem>>, vector<16xi32>,
    %get3A_109 = vector.shape_cast %get3A_108 : vector<16xi32> to vector<16xi32>
    %swap3A_110 = arith.constant 64 : index
    %swap3A_111 = tpu.vector_load %arg10[%swap3A_110] {strides = array<i32>} : memref<96xi32, #tpu.memory_space<vmem>>, vector<16xi32>,
    %swap3A_112 = vector.shape_cast %swap3A_111 : vector<16xi32> to vector<16xi32>
    %swap3A_113 = vector.shape_cast %get3A_109 : vector<16xi32> to vector<16xi32>
    tpu.vector_store %arg10[%swap3A_110], %swap3A_113 {strides = array<i32>} : memref<96xi32, #tpu.memory_space<vmem>>, vector<16xi32>,
    %multiple_of3A_114 = arith.constant 176 : i32
    %multiple_of3A_115 = tpu.assume_multiple %multiple_of3A_114, 16 : i32
    %get3A_116 = arith.index_cast %multiple_of3A_115 : i32 to index
    %get3A_117 = tpu.vector_load %arg6[%get3A_116] {strides = array<i32>} : memref<10080xi32, #tpu.memory_space<vmem>>, vector<16xi32>,
    %get3A_118 = vector.shape_cast %get3A_117 : vector<16xi32> to vector<16xi32>
    %swap3A_119 = arith.constant 80 : index
    %swap3A_120 = tpu.vector_load %arg10[%swap3A_119] {strides = array<i32>} : memref<96xi32, #tpu.memory_space<vmem>>, vector<16xi32>,
    %swap3A_121 = vector.shape_cast %swap3A_120 : vector<16xi32> to vector<16xi32>
    %swap3A_122 = vector.shape_cast %get3A_118 : vector<16xi32> to vector<16xi32>
    tpu.vector_store %arg10[%swap3A_119], %swap3A_122 {strides = array<i32>} : memref<96xi32, #tpu.memory_space<vmem>>, vector<16xi32>,
    %dma_start3A_123 = arith.constant 0 : i32
    %dma_start3A_124 = arith.constant 0 : i32
    %dma_start3A_125 = tpu.memref_slice %arg4[%dma_start3A_123, %dma_start3A_124] : memref<10240x16xf32, #tpu.memory_space<vmem_shared>> -> memref<10240x16xf32, #tpu.memory_space<vmem_shared>>
    tpu.enqueue_indirect_dma source(%arg8 : memref<96x16xf32, #tpu.memory_space<vmem>>) target(%dma_start3A_125 : memref<10240x16xf32, #tpu.memory_space<vmem_shared>>) offsets(%arg10 : memref<96xi32, #tpu.memory_space<vmem>>) semaphore(%arg12 : memref<!tpu.dma_semaphore, #tpu.memory_space<semaphore_mem>>) {add = true}
    %scan3A_126 = arith.constant 0 : i32
    %scan3A_127 = arith.constant 1 : i32
    %scan3A_128 = arith.constant 51 : i32
    %scan3A_129 = arith.addi %scan3A_127, %scan3A_128 : i32
    %scan3A_130 = arith.constant 1 : i32
    %scan3A_131 = scf.for %scan3A_201 = %scan3A_127 to %scan3A_129 step %scan3A_130 iter_args(%scan3A_202 = %scan3A_126) -> (i32)  : i32 {
      %dma_wait3A_203 = arith.constant 0 : i32
      %dma_wait3A_204 = arith.constant 0 : i32
      %dma_wait3A_205 = tpu.memref_slice %arg4[%dma_wait3A_203, %dma_wait3A_204] : memref<10240x16xf32, #tpu.memory_space<vmem_shared>> -> memref<10240x16xf32, #tpu.memory_space<vmem_shared>>
      tpu.wait_indirect_dma semaphore(%arg11 : memref<!tpu.dma_semaphore, #tpu.memory_space<semaphore_mem>>) src(%arg8 : memref<96x16xf32, #tpu.memory_space<vmem>>) dst(%dma_wait3A_205 : memref<10240x16xf32, #tpu.memory_space<vmem_shared>>)
      %mul3A_206 = arith.constant 2 : i32
      %mul3A_207 = arith.muli %mul3A_206, %scan3A_201 : i32
      %mul3A_208 = arith.constant 96 : i32
      %mul3A_209 = arith.muli %mul3A_207, %mul3A_208 : i32
      %add3A = arith.constant 0 : i32
      %add3A_210 = arith.addi %mul3A_209, %add3A : i32
      %multiple_of3A_211 = tpu.assume_multiple %add3A_210, 16 : i32
      %get3A_212 = arith.index_cast %multiple_of3A_211 : i32 to index
      %get3A_213 = tpu.vector_load %arg6[%get3A_212] {strides = array<i32>} : memref<10080xi32, #tpu.memory_space<vmem>>, vector<16xi32>,
      %get3A_214 = vector.shape_cast %get3A_213 : vector<16xi32> to vector<16xi32>
      %swap3A_215 = arith.constant 0 : index
      %swap3A_216 = tpu.vector_load %arg7[%swap3A_215] {strides = array<i32>} : memref<96xi32, #tpu.memory_space<vmem>>, vector<16xi32>,
      %swap3A_217 = vector.shape_cast %swap3A_216 : vector<16xi32> to vector<16xi32>
      %swap3A_218 = vector.shape_cast %get3A_214 : vector<16xi32> to vector<16xi32>
      tpu.vector_store %arg7[%swap3A_215], %swap3A_218 {strides = array<i32>} : memref<96xi32, #tpu.memory_space<vmem>>, vector<16xi32>,
      %add3A_219 = arith.constant 16 : i32
      %add3A_220 = arith.addi %mul3A_209, %add3A_219 : i32
      %multiple_of3A_221 = tpu.assume_multiple %add3A_220, 16 : i32
      %get3A_222 = arith.index_cast %multiple_of3A_221 : i32 to index
      %get3A_223 = tpu.vector_load %arg6[%get3A_222] {strides = array<i32>} : memref<10080xi32, #tpu.memory_space<vmem>>, vector<16xi32>,
      %get3A_224 = vector.shape_cast %get3A_223 : vector<16xi32> to vector<16xi32>
      %swap3A_225 = arith.constant 16 : index
      %swap3A_226 = tpu.vector_load %arg7[%swap3A_225] {strides = array<i32>} : memref<96xi32, #tpu.memory_space<vmem>>, vector<16xi32>,
      %swap3A_227 = vector.shape_cast %swap3A_226 : vector<16xi32> to vector<16xi32>
      %swap3A_228 = vector.shape_cast %get3A_224 : vector<16xi32> to vector<16xi32>
      tpu.vector_store %arg7[%swap3A_225], %swap3A_228 {strides = array<i32>} : memref<96xi32, #tpu.memory_space<vmem>>, vector<16xi32>,
      %add3A_229 = arith.constant 32 : i32
      %add3A_230 = arith.addi %mul3A_209, %add3A_229 : i32
      %multiple_of3A_231 = tpu.assume_multiple %add3A_230, 16 : i32
      %get3A_232 = arith.index_cast %multiple_of3A_231 : i32 to index
      %get3A_233 = tpu.vector_load %arg6[%get3A_232] {strides = array<i32>} : memref<10080xi32, #tpu.memory_space<vmem>>, vector<16xi32>,
      %get3A_234 = vector.shape_cast %get3A_233 : vector<16xi32> to vector<16xi32>
      %swap3A_235 = arith.constant 32 : index
      %swap3A_236 = tpu.vector_load %arg7[%swap3A_235] {strides = array<i32>} : memref<96xi32, #tpu.memory_space<vmem>>, vector<16xi32>,
      %swap3A_237 = vector.shape_cast %swap3A_236 : vector<16xi32> to vector<16xi32>
      %swap3A_238 = vector.shape_cast %get3A_234 : vector<16xi32> to vector<16xi32>
      tpu.vector_store %arg7[%swap3A_235], %swap3A_238 {strides = array<i32>} : memref<96xi32, #tpu.memory_space<vmem>>, vector<16xi32>,
      %add3A_239 = arith.constant 48 : i32
      %add3A_240 = arith.addi %mul3A_209, %add3A_239 : i32
      %multiple_of3A_241 = tpu.assume_multiple %add3A_240, 16 : i32
      %get3A_242 = arith.index_cast %multiple_of3A_241 : i32 to index
      %get3A_243 = tpu.vector_load %arg6[%get3A_242] {strides = array<i32>} : memref<10080xi32, #tpu.memory_space<vmem>>, vector<16xi32>,
      %get3A_244 = vector.shape_cast %get3A_243 : vector<16xi32> to vector<16xi32>
      %swap3A_245 = arith.constant 48 : index
      %swap3A_246 = tpu.vector_load %arg7[%swap3A_245] {strides = array<i32>} : memref<96xi32, #tpu.memory_space<vmem>>, vector<16xi32>,
      %swap3A_247 = vector.shape_cast %swap3A_246 : vector<16xi32> to vector<16xi32>
      %swap3A_248 = vector.shape_cast %get3A_244 : vector<16xi32> to vector<16xi32>
      tpu.vector_store %arg7[%swap3A_245], %swap3A_248 {strides = array<i32>} : memref<96xi32, #tpu.memory_space<vmem>>, vector<16xi32>,
      %add3A_249 = arith.constant 64 : i32
      %add3A_250 = arith.addi %mul3A_209, %add3A_249 : i32
      %multiple_of3A_251 = tpu.assume_multiple %add3A_250, 16 : i32
      %get3A_252 = arith.index_cast %multiple_of3A_251 : i32 to index
      %get3A_253 = tpu.vector_load %arg6[%get3A_252] {strides = array<i32>} : memref<10080xi32, #tpu.memory_space<vmem>>, vector<16xi32>,
      %get3A_254 = vector.shape_cast %get3A_253 : vector<16xi32> to vector<16xi32>
      %swap3A_255 = arith.constant 64 : index
      %swap3A_256 = tpu.vector_load %arg7[%swap3A_255] {strides = array<i32>} : memref<96xi32, #tpu.memory_space<vmem>>, vector<16xi32>,
      %swap3A_257 = vector.shape_cast %swap3A_256 : vector<16xi32> to vector<16xi32>
      %swap3A_258 = vector.shape_cast %get3A_254 : vector<16xi32> to vector<16xi32>
      tpu.vector_store %arg7[%swap3A_255], %swap3A_258 {strides = array<i32>} : memref<96xi32, #tpu.memory_space<vmem>>, vector<16xi32>,
      %add3A_259 = arith.constant 80 : i32
      %add3A_260 = arith.addi %mul3A_209, %add3A_259 : i32
      %multiple_of3A_261 = tpu.assume_multiple %add3A_260, 16 : i32
      %get3A_262 = arith.index_cast %multiple_of3A_261 : i32 to index
      %get3A_263 = tpu.vector_load %arg6[%get3A_262] {strides = array<i32>} : memref<10080xi32, #tpu.memory_space<vmem>>, vector<16xi32>,
      %get3A_264 = vector.shape_cast %get3A_263 : vector<16xi32> to vector<16xi32>
      %swap3A_265 = arith.constant 80 : index
      %swap3A_266 = tpu.vector_load %arg7[%swap3A_265] {strides = array<i32>} : memref<96xi32, #tpu.memory_space<vmem>>, vector<16xi32>,
      %swap3A_267 = vector.shape_cast %swap3A_266 : vector<16xi32> to vector<16xi32>
      %swap3A_268 = vector.shape_cast %get3A_264 : vector<16xi32> to vector<16xi32>
      tpu.vector_store %arg7[%swap3A_265], %swap3A_268 {strides = array<i32>} : memref<96xi32, #tpu.memory_space<vmem>>, vector<16xi32>,
      %dma_start3A_269 = arith.constant 0 : i32
      %dma_start3A_270 = arith.constant 0 : i32
      %dma_start3A_271 = tpu.memref_slice %arg4[%dma_start3A_269, %dma_start3A_270] : memref<10240x16xf32, #tpu.memory_space<vmem_shared>> -> memref<10240x16xf32, #tpu.memory_space<vmem_shared>>
      tpu.enqueue_indirect_dma source(%arg8 : memref<96x16xf32, #tpu.memory_space<vmem>>) target(%dma_start3A_271 : memref<10240x16xf32, #tpu.memory_space<vmem_shared>>) offsets(%arg7 : memref<96xi32, #tpu.memory_space<vmem>>) semaphore(%arg11 : memref<!tpu.dma_semaphore, #tpu.memory_space<semaphore_mem>>) {add = true}
      %dma_wait3A_272 = arith.constant 0 : i32
      %dma_wait3A_273 = arith.constant 0 : i32
      %dma_wait3A_274 = tpu.memref_slice %arg4[%dma_wait3A_272, %dma_wait3A_273] : memref<10240x16xf32, #tpu.memory_space<vmem_shared>> -> memref<10240x16xf32, #tpu.memory_space<vmem_shared>>
      tpu.wait_indirect_dma semaphore(%arg12 : memref<!tpu.dma_semaphore, #tpu.memory_space<semaphore_mem>>) src(%arg8 : memref<96x16xf32, #tpu.memory_space<vmem>>) dst(%dma_wait3A_274 : memref<10240x16xf32, #tpu.memory_space<vmem_shared>>)
      %mul3A_275 = arith.constant 2 : i32
      %mul3A_276 = arith.muli %mul3A_275, %scan3A_201 : i32
      %add3A_277 = arith.constant 1 : i32
      %add3A_278 = arith.addi %mul3A_276, %add3A_277 : i32
      %mul3A_279 = arith.constant 96 : i32
      %mul3A_280 = arith.muli %add3A_278, %mul3A_279 : i32
      %add3A_281 = arith.constant 0 : i32
      %add3A_282 = arith.addi %mul3A_280, %add3A_281 : i32
      %multiple_of3A_283 = tpu.assume_multiple %add3A_282, 16 : i32
      %get3A_284 = arith.index_cast %multiple_of3A_283 : i32 to index
      %get3A_285 = tpu.vector_load %arg6[%get3A_284] {strides = array<i32>} : memref<10080xi32, #tpu.memory_space<vmem>>, vector<16xi32>,
      %get3A_286 = vector.shape_cast %get3A_285 : vector<16xi32> to vector<16xi32>
      %swap3A_287 = arith.constant 0 : index
      %swap3A_288 = tpu.vector_load %arg10[%swap3A_287] {strides = array<i32>} : memref<96xi32, #tpu.memory_space<vmem>>, vector<16xi32>,
      %swap3A_289 = vector.shape_cast %swap3A_288 : vector<16xi32> to vector<16xi32>
      %swap3A_290 = vector.shape_cast %get3A_286 : vector<16xi32> to vector<16xi32>
      tpu.vector_store %arg10[%swap3A_287], %swap3A_290 {strides = array<i32>} : memref<96xi32, #tpu.memory_space<vmem>>, vector<16xi32>,
      %add3A_291 = arith.constant 16 : i32
      %add3A_292 = arith.addi %mul3A_280, %add3A_291 : i32
      %multiple_of3A_293 = tpu.assume_multiple %add3A_292, 16 : i32
      %get3A_294 = arith.index_cast %multiple_of3A_293 : i32 to index
      %get3A_295 = tpu.vector_load %arg6[%get3A_294] {strides = array<i32>} : memref<10080xi32, #tpu.memory_space<vmem>>, vector<16xi32>,
      %get3A_296 = vector.shape_cast %get3A_295 : vector<16xi32> to vector<16xi32>
      %swap3A_297 = arith.constant 16 : index
      %swap3A_298 = tpu.vector_load %arg10[%swap3A_297] {strides = array<i32>} : memref<96xi32, #tpu.memory_space<vmem>>, vector<16xi32>,
      %swap3A_299 = vector.shape_cast %swap3A_298 : vector<16xi32> to vector<16xi32>
      %swap3A_300 = vector.shape_cast %get3A_296 : vector<16xi32> to vector<16xi32>
      tpu.vector_store %arg10[%swap3A_297], %swap3A_300 {strides = array<i32>} : memref<96xi32, #tpu.memory_space<vmem>>, vector<16xi32>,
      %add3A_301 = arith.constant 32 : i32
      %add3A_302 = arith.addi %mul3A_280, %add3A_301 : i32
      %multiple_of3A_303 = tpu.assume_multiple %add3A_302, 16 : i32
      %get3A_304 = arith.index_cast %multiple_of3A_303 : i32 to index
      %get3A_305 = tpu.vector_load %arg6[%get3A_304] {strides = array<i32>} : memref<10080xi32, #tpu.memory_space<vmem>>, vector<16xi32>,
      %get3A_306 = vector.shape_cast %get3A_305 : vector<16xi32> to vector<16xi32>
      %swap3A_307 = arith.constant 32 : index
      %swap3A_308 = tpu.vector_load %arg10[%swap3A_307] {strides = array<i32>} : memref<96xi32, #tpu.memory_space<vmem>>, vector<16xi32>,
      %swap3A_309 = vector.shape_cast %swap3A_308 : vector<16xi32> to vector<16xi32>
      %swap3A_310 = vector.shape_cast %get3A_306 : vector<16xi32> to vector<16xi32>
      tpu.vector_store %arg10[%swap3A_307], %swap3A_310 {strides = array<i32>} : memref<96xi32, #tpu.memory_space<vmem>>, vector<16xi32>,
      %add3A_311 = arith.constant 48 : i32
      %add3A_312 = arith.addi %mul3A_280, %add3A_311 : i32
      %multiple_of3A_313 = tpu.assume_multiple %add3A_312, 16 : i32
      %get3A_314 = arith.index_cast %multiple_of3A_313 : i32 to index
      %get3A_315 = tpu.vector_load %arg6[%get3A_314] {strides = array<i32>} : memref<10080xi32, #tpu.memory_space<vmem>>, vector<16xi32>,
      %get3A_316 = vector.shape_cast %get3A_315 : vector<16xi32> to vector<16xi32>
      %swap3A_317 = arith.constant 48 : index
      %swap3A_318 = tpu.vector_load %arg10[%swap3A_317] {strides = array<i32>} : memref<96xi32, #tpu.memory_space<vmem>>, vector<16xi32>,
      %swap3A_319 = vector.shape_cast %swap3A_318 : vector<16xi32> to vector<16xi32>
      %swap3A_320 = vector.shape_cast %get3A_316 : vector<16xi32> to vector<16xi32>
      tpu.vector_store %arg10[%swap3A_317], %swap3A_320 {strides = array<i32>} : memref<96xi32, #tpu.memory_space<vmem>>, vector<16xi32>,
      %add3A_321 = arith.constant 64 : i32
      %add3A_322 = arith.addi %mul3A_280, %add3A_321 : i32
      %multiple_of3A_323 = tpu.assume_multiple %add3A_322, 16 : i32
      %get3A_324 = arith.index_cast %multiple_of3A_323 : i32 to index
      %get3A_325 = tpu.vector_load %arg6[%get3A_324] {strides = array<i32>} : memref<10080xi32, #tpu.memory_space<vmem>>, vector<16xi32>,
      %get3A_326 = vector.shape_cast %get3A_325 : vector<16xi32> to vector<16xi32>
      %swap3A_327 = arith.constant 64 : index
      %swap3A_328 = tpu.vector_load %arg10[%swap3A_327] {strides = array<i32>} : memref<96xi32, #tpu.memory_space<vmem>>, vector<16xi32>,
      %swap3A_329 = vector.shape_cast %swap3A_328 : vector<16xi32> to vector<16xi32>
      %swap3A_330 = vector.shape_cast %get3A_326 : vector<16xi32> to vector<16xi32>
      tpu.vector_store %arg10[%swap3A_327], %swap3A_330 {strides = array<i32>} : memref<96xi32, #tpu.memory_space<vmem>>, vector<16xi32>,
      %add3A_331 = arith.constant 80 : i32
      %add3A_332 = arith.addi %mul3A_280, %add3A_331 : i32
      %multiple_of3A_333 = tpu.assume_multiple %add3A_332, 16 : i32
      %get3A_334 = arith.index_cast %multiple_of3A_333 : i32 to index
      %get3A_335 = tpu.vector_load %arg6[%get3A_334] {strides = array<i32>} : memref<10080xi32, #tpu.memory_space<vmem>>, vector<16xi32>,
      %get3A_336 = vector.shape_cast %get3A_335 : vector<16xi32> to vector<16xi32>
      %swap3A_337 = arith.constant 80 : index
      %swap3A_338 = tpu.vector_load %arg10[%swap3A_337] {strides = array<i32>} : memref<96xi32, #tpu.memory_space<vmem>>, vector<16xi32>,
      %swap3A_339 = vector.shape_cast %swap3A_338 : vector<16xi32> to vector<16xi32>
      %swap3A_340 = vector.shape_cast %get3A_336 : vector<16xi32> to vector<16xi32>
      tpu.vector_store %arg10[%swap3A_337], %swap3A_340 {strides = array<i32>} : memref<96xi32, #tpu.memory_space<vmem>>, vector<16xi32>,
      %dma_start3A_341 = arith.constant 0 : i32
      %dma_start3A_342 = arith.constant 0 : i32
      %dma_start3A_343 = tpu.memref_slice %arg4[%dma_start3A_341, %dma_start3A_342] : memref<10240x16xf32, #tpu.memory_space<vmem_shared>> -> memref<10240x16xf32, #tpu.memory_space<vmem_shared>>
      tpu.enqueue_indirect_dma source(%arg8 : memref<96x16xf32, #tpu.memory_space<vmem>>) target(%dma_start3A_343 : memref<10240x16xf32, #tpu.memory_space<vmem_shared>>) offsets(%arg10 : memref<96xi32, #tpu.memory_space<vmem>>) semaphore(%arg12 : memref<!tpu.dma_semaphore, #tpu.memory_space<semaphore_mem>>) {add = true}
      %scan3A_344 = arith.constant 0 : i32
      scf.yield %scan3A_344 : i32
    }
    %scan3A_132 = arith.constant 51 : i32
    %dma_wait3A = arith.constant 0 : i32
    %dma_wait3A_133 = arith.constant 0 : i32
    %dma_wait3A_134 = tpu.memref_slice %arg4[%dma_wait3A, %dma_wait3A_133] : memref<10240x16xf32, #tpu.memory_space<vmem_shared>> -> memref<10240x16xf32, #tpu.memory_space<vmem_shared>>
    tpu.wait_indirect_dma semaphore(%arg11 : memref<!tpu.dma_semaphore, #tpu.memory_space<semaphore_mem>>) src(%arg8 : memref<96x16xf32, #tpu.memory_space<vmem>>) dst(%dma_wait3A_134 : memref<10240x16xf32, #tpu.memory_space<vmem_shared>>)
    %multiple_of3A_135 = arith.constant 9984 : i32
    %multiple_of3A_136 = tpu.assume_multiple %multiple_of3A_135, 16 : i32
    %get3A_137 = arith.index_cast %multiple_of3A_136 : i32 to index
    %get3A_138 = tpu.vector_load %arg6[%get3A_137] {strides = array<i32>} : memref<10080xi32, #tpu.memory_space<vmem>>, vector<16xi32>,
    %get3A_139 = vector.shape_cast %get3A_138 : vector<16xi32> to vector<16xi32>
    %swap3A_140 = arith.constant 0 : index
    %swap3A_141 = tpu.vector_load %arg7[%swap3A_140] {strides = array<i32>} : memref<96xi32, #tpu.memory_space<vmem>>, vector<16xi32>,
    %swap3A_142 = vector.shape_cast %swap3A_141 : vector<16xi32> to vector<16xi32>
    %swap3A_143 = vector.shape_cast %get3A_139 : vector<16xi32> to vector<16xi32>
    tpu.vector_store %arg7[%swap3A_140], %swap3A_143 {strides = array<i32>} : memref<96xi32, #tpu.memory_space<vmem>>, vector<16xi32>,
    %multiple_of3A_144 = arith.constant 10000 : i32
    %multiple_of3A_145 = tpu.assume_multiple %multiple_of3A_144, 16 : i32
    %get3A_146 = arith.index_cast %multiple_of3A_145 : i32 to index
    %get3A_147 = tpu.vector_load %arg6[%get3A_146] {strides = array<i32>} : memref<10080xi32, #tpu.memory_space<vmem>>, vector<16xi32>,
    %get3A_148 = vector.shape_cast %get3A_147 : vector<16xi32> to vector<16xi32>
    %swap3A_149 = arith.constant 16 : index
    %swap3A_150 = tpu.vector_load %arg7[%swap3A_149] {strides = array<i32>} : memref<96xi32, #tpu.memory_space<vmem>>, vector<16xi32>,
    %swap3A_151 = vector.shape_cast %swap3A_150 : vector<16xi32> to vector<16xi32>
    %swap3A_152 = vector.shape_cast %get3A_148 : vector<16xi32> to vector<16xi32>
    tpu.vector_store %arg7[%swap3A_149], %swap3A_152 {strides = array<i32>} : memref<96xi32, #tpu.memory_space<vmem>>, vector<16xi32>,
    %multiple_of3A_153 = arith.constant 10016 : i32
    %multiple_of3A_154 = tpu.assume_multiple %multiple_of3A_153, 16 : i32
    %get3A_155 = arith.index_cast %multiple_of3A_154 : i32 to index
    %get3A_156 = tpu.vector_load %arg6[%get3A_155] {strides = array<i32>} : memref<10080xi32, #tpu.memory_space<vmem>>, vector<16xi32>,
    %get3A_157 = vector.shape_cast %get3A_156 : vector<16xi32> to vector<16xi32>
    %swap3A_158 = arith.constant 32 : index
    %swap3A_159 = tpu.vector_load %arg7[%swap3A_158] {strides = array<i32>} : memref<96xi32, #tpu.memory_space<vmem>>, vector<16xi32>,
    %swap3A_160 = vector.shape_cast %swap3A_159 : vector<16xi32> to vector<16xi32>
    %swap3A_161 = vector.shape_cast %get3A_157 : vector<16xi32> to vector<16xi32>
    tpu.vector_store %arg7[%swap3A_158], %swap3A_161 {strides = array<i32>} : memref<96xi32, #tpu.memory_space<vmem>>, vector<16xi32>,
    %multiple_of3A_162 = arith.constant 10032 : i32
    %multiple_of3A_163 = tpu.assume_multiple %multiple_of3A_162, 16 : i32
    %get3A_164 = arith.index_cast %multiple_of3A_163 : i32 to index
    %get3A_165 = tpu.vector_load %arg6[%get3A_164] {strides = array<i32>} : memref<10080xi32, #tpu.memory_space<vmem>>, vector<16xi32>,
    %get3A_166 = vector.shape_cast %get3A_165 : vector<16xi32> to vector<16xi32>
    %swap3A_167 = arith.constant 48 : index
    %swap3A_168 = tpu.vector_load %arg7[%swap3A_167] {strides = array<i32>} : memref<96xi32, #tpu.memory_space<vmem>>, vector<16xi32>,
    %swap3A_169 = vector.shape_cast %swap3A_168 : vector<16xi32> to vector<16xi32>
    %swap3A_170 = vector.shape_cast %get3A_166 : vector<16xi32> to vector<16xi32>
    tpu.vector_store %arg7[%swap3A_167], %swap3A_170 {strides = array<i32>} : memref<96xi32, #tpu.memory_space<vmem>>, vector<16xi32>,
    %multiple_of3A_171 = arith.constant 10048 : i32
    %multiple_of3A_172 = tpu.assume_multiple %multiple_of3A_171, 16 : i32
    %get3A_173 = arith.index_cast %multiple_of3A_172 : i32 to index
    %get3A_174 = tpu.vector_load %arg6[%get3A_173] {strides = array<i32>} : memref<10080xi32, #tpu.memory_space<vmem>>, vector<16xi32>,
    %get3A_175 = vector.shape_cast %get3A_174 : vector<16xi32> to vector<16xi32>
    %swap3A_176 = arith.constant 64 : index
    %swap3A_177 = tpu.vector_load %arg7[%swap3A_176] {strides = array<i32>} : memref<96xi32, #tpu.memory_space<vmem>>, vector<16xi32>,
    %swap3A_178 = vector.shape_cast %swap3A_177 : vector<16xi32> to vector<16xi32>
    %swap3A_179 = vector.shape_cast %get3A_175 : vector<16xi32> to vector<16xi32>
    tpu.vector_store %arg7[%swap3A_176], %swap3A_179 {strides = array<i32>} : memref<96xi32, #tpu.memory_space<vmem>>, vector<16xi32>,
    %multiple_of3A_180 = arith.constant 10064 : i32
    %multiple_of3A_181 = tpu.assume_multiple %multiple_of3A_180, 16 : i32
    %get3A_182 = arith.index_cast %multiple_of3A_181 : i32 to index
    %get3A_183 = tpu.vector_load %arg6[%get3A_182] {strides = array<i32>} : memref<10080xi32, #tpu.memory_space<vmem>>, vector<16xi32>,
    %get3A_184 = vector.shape_cast %get3A_183 : vector<16xi32> to vector<16xi32>
    %swap3A_185 = arith.constant 80 : index
    %swap3A_186 = tpu.vector_load %arg7[%swap3A_185] {strides = array<i32>} : memref<96xi32, #tpu.memory_space<vmem>>, vector<16xi32>,
    %swap3A_187 = vector.shape_cast %swap3A_186 : vector<16xi32> to vector<16xi32>
    %swap3A_188 = vector.shape_cast %get3A_184 : vector<16xi32> to vector<16xi32>
    tpu.vector_store %arg7[%swap3A_185], %swap3A_188 {strides = array<i32>} : memref<96xi32, #tpu.memory_space<vmem>>, vector<16xi32>,
    %dma_start3A_189 = arith.constant 0 : i32
    %dma_start3A_190 = arith.constant 0 : i32
    %dma_start3A_191 = tpu.memref_slice %arg4[%dma_start3A_189, %dma_start3A_190] : memref<10240x16xf32, #tpu.memory_space<vmem_shared>> -> memref<10240x16xf32, #tpu.memory_space<vmem_shared>>
    tpu.enqueue_indirect_dma source(%arg8 : memref<96x16xf32, #tpu.memory_space<vmem>>) target(%dma_start3A_191 : memref<10240x16xf32, #tpu.memory_space<vmem_shared>>) offsets(%arg7 : memref<96xi32, #tpu.memory_space<vmem>>) semaphore(%arg11 : memref<!tpu.dma_semaphore, #tpu.memory_space<semaphore_mem>>) {add = true}
    %dma_wait3A_192 = arith.constant 0 : i32
    %dma_wait3A_193 = arith.constant 0 : i32
    %dma_wait3A_194 = tpu.memref_slice %arg4[%dma_wait3A_192, %dma_wait3A_193] : memref<10240x16xf32, #tpu.memory_space<vmem_shared>> -> memref<10240x16xf32, #tpu.memory_space<vmem_shared>>
    tpu.wait_indirect_dma semaphore(%arg12 : memref<!tpu.dma_semaphore, #tpu.memory_space<semaphore_mem>>) src(%arg8 : memref<96x16xf32, #tpu.memory_space<vmem>>) dst(%dma_wait3A_194 : memref<10240x16xf32, #tpu.memory_space<vmem_shared>>)
    %dma_wait3A_195 = arith.constant 0 : i32
    %dma_wait3A_196 = arith.constant 0 : i32
    %dma_wait3A_197 = tpu.memref_slice %arg4[%dma_wait3A_195, %dma_wait3A_196] : memref<10240x16xf32, #tpu.memory_space<vmem_shared>> -> memref<10240x16xf32, #tpu.memory_space<vmem_shared>>
    tpu.wait_indirect_dma semaphore(%arg11 : memref<!tpu.dma_semaphore, #tpu.memory_space<semaphore_mem>>) src(%arg8 : memref<96x16xf32, #tpu.memory_space<vmem>>) dst(%dma_wait3A_197 : memref<10240x16xf32, #tpu.memory_space<vmem_shared>>)
    %barrier3A_198 = arith.constant 0 : index
    tpu.barrier barrier_id(%barrier3A_198)
    %mul3A_199 = arith.constant 640 : i32
    %mul3A_200 = arith.muli %arg1, %mul3A_199 : i32
    "tpu.region"() ({
      %run_scoped3A = tpu.sem_alloc : memref<!tpu.dma_semaphore, #tpu.memory_space<semaphore_mem>>
      %dma_start3A_201 = arith.constant 0 : i32
      %dma_start3A_202 = tpu.memref_slice %arg4[%mul3A_200, %dma_start3A_201] : memref<10240x16xf32, #tpu.memory_space<vmem_shared>> -> memref<640x16xf32, #tpu.memory_space<vmem_shared>>
      %dma_start3A_203 = arith.constant 0 : i32
      %dma_start3A_204 = tpu.memref_slice %arg4[%mul3A_200, %dma_start3A_203] : memref<10240x16xf32, #tpu.memory_space<vmem_shared>> -> memref<640x16xf32, #tpu.memory_space<vmem_shared>>
      tpu.enqueue_dma source(%dma_start3A_204 : memref<640x16xf32, #tpu.memory_space<vmem_shared>>) target(%arg5 : memref<640x16xf32, #tpu.memory_space<vmem>>) target_semaphore(%run_scoped3A : memref<!tpu.dma_semaphore, #tpu.memory_space<semaphore_mem>>)
      %dma_wait3A_205 = arith.constant 0 : i32
      %dma_wait3A_206 = tpu.memref_slice %arg4[%mul3A_200, %dma_wait3A_205] : memref<10240x16xf32, #tpu.memory_space<vmem_shared>> -> memref<640x16xf32, #tpu.memory_space<vmem_shared>>
      %dma_wait3A_207 = arith.constant 0 : i32
      %dma_wait3A_208 = tpu.memref_slice %arg4[%mul3A_200, %dma_wait3A_207] : memref<10240x16xf32, #tpu.memory_space<vmem_shared>> -> memref<640x16xf32, #tpu.memory_space<vmem_shared>>
      tpu.wait_dma2 semaphore(%run_scoped3A : memref<!tpu.dma_semaphore, #tpu.memory_space<semaphore_mem>>) src(%dma_wait3A_208 : memref<640x16xf32, #tpu.memory_space<vmem_shared>>) dst(%arg5 : memref<640x16xf32, #tpu.memory_space<vmem>>)
      tpu.yield
    }) : () -> ()
    "tpu.region"() ({
      %run_scoped3A = tpu.sem_alloc : memref<!tpu.dma_semaphore, #tpu.memory_space<semaphore_mem>>
      %dma_start3A_201 = arith.constant 0 : i32
      %dma_start3A_202 = arith.constant 0 : i32
      %dma_start3A_203 = tpu.memref_slice %arg3[%arg0, %dma_start3A_201, %dma_start3A_202] : memref<2x10240x16xf32, #tpu.memory_space<hbm>> -> memref<1x10240x16xf32, #tpu.memory_space<hbm>>
      %dma_start3A_204 = tpu.memref_squeeze %dma_start3A_203 : memref<1x10240x16xf32, #tpu.memory_space<hbm>> -> memref<10240x16xf32, #tpu.memory_space<hbm>>
      %dma_start3A_205 = arith.constant 0 : i32
      %dma_start3A_206 = tpu.memref_slice %dma_start3A_204[%mul3A_200, %dma_start3A_205] : memref<10240x16xf32, #tpu.memory_space<hbm>> -> memref<640x16xf32, #tpu.memory_space<hbm>>
      %dma_start3A_207 = arith.constant 0 : i32
      %dma_start3A_208 = arith.constant 0 : i32
      %dma_start3A_209 = tpu.memref_slice %arg3[%arg0, %dma_start3A_207, %dma_start3A_208] : memref<2x10240x16xf32, #tpu.memory_space<hbm>> -> memref<1x10240x16xf32, #tpu.memory_space<hbm>>
      %dma_start3A_210 = tpu.memref_squeeze %dma_start3A_209 : memref<1x10240x16xf32, #tpu.memory_space<hbm>> -> memref<10240x16xf32, #tpu.memory_space<hbm>>
      %dma_start3A_211 = arith.constant 0 : i32
      %dma_start3A_212 = tpu.memref_slice %dma_start3A_210[%mul3A_200, %dma_start3A_211] : memref<10240x16xf32, #tpu.memory_space<hbm>> -> memref<640x16xf32, #tpu.memory_space<hbm>>
      tpu.enqueue_dma source(%arg5 : memref<640x16xf32, #tpu.memory_space<vmem>>) target(%dma_start3A_212 : memref<640x16xf32, #tpu.memory_space<hbm>>) target_semaphore(%run_scoped3A : memref<!tpu.dma_semaphore, #tpu.memory_space<semaphore_mem>>)
      %dma_wait3A_213 = arith.constant 0 : i32
      %dma_wait3A_214 = arith.constant 0 : i32
      %dma_wait3A_215 = tpu.memref_slice %arg3[%arg0, %dma_wait3A_213, %dma_wait3A_214] : memref<2x10240x16xf32, #tpu.memory_space<hbm>> -> memref<1x10240x16xf32, #tpu.memory_space<hbm>>
      %dma_wait3A_216 = tpu.memref_squeeze %dma_wait3A_215 : memref<1x10240x16xf32, #tpu.memory_space<hbm>> -> memref<10240x16xf32, #tpu.memory_space<hbm>>
      %dma_wait3A_217 = arith.constant 0 : i32
      %dma_wait3A_218 = tpu.memref_slice %dma_wait3A_216[%mul3A_200, %dma_wait3A_217] : memref<10240x16xf32, #tpu.memory_space<hbm>> -> memref<640x16xf32, #tpu.memory_space<hbm>>
      %dma_wait3A_219 = arith.constant 0 : i32
      %dma_wait3A_220 = arith.constant 0 : i32
      %dma_wait3A_221 = tpu.memref_slice %arg3[%arg0, %dma_wait3A_219, %dma_wait3A_220] : memref<2x10240x16xf32, #tpu.memory_space<hbm>> -> memref<1x10240x16xf32, #tpu.memory_space<hbm>>
      %dma_wait3A_222 = tpu.memref_squeeze %dma_wait3A_221 : memref<1x10240x16xf32, #tpu.memory_space<hbm>> -> memref<10240x16xf32, #tpu.memory_space<hbm>>
      %dma_wait3A_223 = arith.constant 0 : i32
      %dma_wait3A_224 = tpu.memref_slice %dma_wait3A_222[%mul3A_200, %dma_wait3A_223] : memref<10240x16xf32, #tpu.memory_space<hbm>> -> memref<640x16xf32, #tpu.memory_space<hbm>>
      tpu.wait_dma2 semaphore(%run_scoped3A : memref<!tpu.dma_semaphore, #tpu.memory_space<semaphore_mem>>) src(%arg5 : memref<640x16xf32, #tpu.memory_space<vmem>>) dst(%dma_wait3A_224 : memref<640x16xf32, #tpu.memory_space<hbm>>)
      tpu.yield
    }) : () -> ()
    return
  }
}

</mosaic_0001>

<sc_bundles>
// kernel: _sc_degree.3.cloned.1.call-start
scs
__scs_entry_jumppad:
0x0: {  	(pc) =	sbr.rel $0x88, $3  }
0x1: {  	(tag) =	ssettag $0x0;
	lr =	simm.s32 $0x1  }
0x2: {  	[smem:$0x3FA0] =	sst lr;
	_ =	strace $0xD0000000  }
0x3: {  	_ = 	snop  }
0x4: {  	_ = 	snop  }
0x5: {  	_ = 	snop  }
0x6: {  	_ = 	snop  }
0x7: {  	_ = 	snop  }
__scs_overlays_trampoline_lowered:
0x8: {  	[smem:$0x3FAF] =	sst s0  }
0x9: {  	[smem:$0x3FB0] =	sst s1  }
0xa: {  	[smem:$0x3FB1] =	sst s2  }
0xb: {  	[smem:$0x3FB2] =	sst s3  }
0xc: {  	[smem:$0x3FB3] =	sst s4  }
0xd: {  	[smem:$0x3FB4] =	sst s5  }
0xe: {  	[smem:$0x3FB5] =	sst s6  }
0xf: {  	[smem:$0x3FB6] =	sst s7  }
0x10: {  	[smem:$0x3FB7] =	sst s8  }
0x11: {  	[smem:$0x3FB8] =	sst s9;
	s0 =	simm.s32 @!p0 $0x0  }
0x12: {  	s1 =	sld [smem:$0x3F9E];
	s0 =	simm.s32 @p0 $0x1  }
0x13: {  	[smem:$0x3FB9] =	sst s0;
	s0 =	simm.s32 @!p1 $0x0  }
0x14: {  	s2 =	sld [smem:$0x3F9D];
	s0 =	simm.s32 @p1 $0x1  }
0x15: {  	[smem:$0x3FBA] =	sst s0;
	s0 =	simm.s32 @!p2 $0x0  }
0x16: {  	s3 =	sld [smem:$0x3FDB];
	s0 =	simm.s32 @p2 $0x1  }
0x17: {  	s4 =	simm.s32 $0x1BF5;
	[smem:$0x3FBC] =	sst s0  }
0x18: {  	s0 =	sld [smem:$0x3F9F];
	_ =	swait.ge [sflag:s4], $0x0  }
0x19: {  	s7 =	sld [smem:$0x3FA0]  }
0x1a: {  	s8 =	sadd.s32 $0xFFFFE003, lr  }
0x1b: {  	s9 =	sadd.s32 $0xFFFFFEF7, lr;
	s5 =	simm.s32 $0xFFFFFFFF;
	p2 =	slt.u32 s8, $0xFFFFF086  }
0x1c: {  	p1 =	slt.u32 s9, $0xF7A;
	s5 =	simm.s32 @!p2 $0x0  }
0x1d: {  	s5 =	simm.s32 @p1 $0x1;
	p0 =	seq.s32 s7, s2  }
0x1e: {  	s7 =	smul.u32 @!p0 $0xF7A, s2;
	p2 =	seq.s32 @!p0 s5, $0x0  }
0x1f: {  	s9 =	smul.u32 $0xF7A, s1;
	s8 =	simm.s32 @!p0 $0x1BF5;
	p2 =	por !p2, p0  }
0x20: {  	[sflag:s8] =	ssyncset.s32 @!p0 $0xFFFFF086;
	s6 =	sadd.s32 @!p0 s3, s7;
	s7 =	simm.s32 @!p0 $0x108  }
0x21: {  	s3 =	sadd.s32 s3, s9;
	s6 =	sadd.s32 @!p0 $0x88, s6;
	s7 =	simm.s32 @p2 $0x1082  }
0x22: {  	[simem:s7], [sflag:s8] =	dma.local @!p0 [hbm:s6], $0xF7A  }
0x23: {  	s9 =	sor.u32 $0xD0000000, s2;
	s6 =	simm.s32 $0x108;
	_ =	swait.ge @!p0 [sflag:s8], $0x0  }
0x24: {  	s3 =	sadd.s32 $0x88, s3;
	s6 =	simm.s32 @!p1 $0x1082;
	[sflag:s4] =	ssyncset.s32 $0xFFFFF086  }
0x25: {  	[simem:s6], [sflag:s4] =	dma.local [hbm:s3], $0xF7A  }
0x26: {  	[smem:$0x3FA0] =	sst s1;
	(tag) =	ssettag s2;
	_ =	strace s9  }
0x27: {  	s1 =	sld [smem:$0x3FB0]  }
0x28: {  	s2 =	sld [smem:$0x3FB1]  }
0x29: {  	s4 =	sld [smem:$0x3FB3]  }
0x2a: {  	p0 =	seq.s32 s5, $0x0;
	s5 =	sld [smem:$0x3FB4]  }
0x2b: {  	s6 =	sld [smem:$0x3FB5]  }
0x2c: {  	s7 =	sld [smem:$0x3FB6]  }
0x2d: {  	s3 =	simm.s32 $0x108;
	s8 =	sld [smem:$0x3FB7]  }
0x2e: {  	s3 =	simm.s32 @!p0 $0x1082;
	s9 =	sld [smem:$0x3FB8]  }
0x2f: {  	lr =	sadd.s32 s0, s3;
	s0 =	sld [smem:$0x3FAF]  }
0x30: {  	s3 =	sld [smem:$0x3FB2]  }
0x31: {  	[smem:$0x3FBB] =	sst s10  }
0x32: {  	s10 =	sld [smem:$0x3FB9];
	_ =	sdelay $0x3  }
0x33: {  	p0 =	seq.s32 s10, $0x1;
	s10 =	sld [smem:$0x3FBB];
	_ =	sdelay $0x3  }
0x34: {  	[smem:$0x3FBB] =	sst s10  }
0x35: {  	s10 =	sld [smem:$0x3FBA];
	_ =	sdelay $0x3  }
0x36: {  	p1 =	seq.s32 s10, $0x1;
	s10 =	sld [smem:$0x3FBB];
	_ =	sdelay $0x3  }
0x37: {  	[smem:$0x3FBB] =	sst s10  }
0x38: {  	s10 =	sld [smem:$0x3FBC]  }
0x39: {  	_ = 	snop;
	(pc) =	sbr.ind lr, $3  }
0x3a: {  	_ = 	snop  }
0x3b: {  	_ = 	snop  }
0x3c: {  	p2 =	seq.s32 s10, $0x1;
	s10 =	sld [smem:$0x3FBB]  }
0x3d: {  	_ =	shalt  }
0x3e: {  	_ =	shalt  }
0x3f: {  	_ =	shalt  }
0x40: {  	_ =	shalt  }
0x41: {  	_ =	shalt  }
0x42: {  	_ =	shalt  }
0x43: {  	_ =	shalt  }
0x44: {  	_ =	shalt  }
0x45: {  	_ =	shalt  }
0x46: {  	_ =	shalt  }
0x47: {  	_ =	shalt  }
0x48: {  	_ =	shalt  }
0x49: {  	_ =	shalt  }
0x4a: {  	_ =	shalt  }
0x4b: {  	_ =	shalt  }
0x4c: {  	_ =	shalt  }
0x4d: {  	_ =	shalt  }
0x4e: {  	_ =	shalt  }
0x4f: {  	_ =	shalt  }
0x50: {  	_ =	shalt  }
0x51: {  	_ =	shalt  }
0x52: {  	_ =	shalt  }
0x53: {  	_ =	shalt  }
0x54: {  	_ =	shalt  }
0x55: {  	_ =	shalt  }
0x56: {  	_ =	shalt  }
0x57: {  	_ =	shalt  }
0x58: {  	_ =	shalt  }
0x59: {  	_ =	shalt  }
0x5a: {  	_ =	shalt  }
0x5b: {  	_ =	shalt  }
0x5c: {  	_ =	shalt  }
0x5d: {  	_ =	shalt  }
0x5e: {  	_ =	shalt  }
0x5f: {  	_ =	shalt  }
0x60: {  	_ =	shalt  }
0x61: {  	_ =	shalt  }
0x62: {  	_ =	shalt  }
0x63: {  	_ =	shalt  }
0x64: {  	_ =	shalt  }
0x65: {  	_ =	shalt  }
0x66: {  	_ =	shalt  }
0x67: {  	_ =	shalt  }
0x68: {  	_ =	shalt  }
0x69: {  	_ =	shalt  }
0x6a: {  	_ =	shalt  }
0x6b: {  	_ =	shalt  }
0x6c: {  	_ =	shalt  }
0x6d: {  	_ =	shalt  }
0x6e: {  	_ =	shalt  }
0x6f: {  	_ =	shalt  }
0x70: {  	_ =	shalt  }
0x71: {  	_ =	shalt  }
0x72: {  	_ =	shalt  }
0x73: {  	_ =	shalt  }
0x74: {  	_ =	shalt  }
0x75: {  	_ =	shalt  }
0x76: {  	_ =	shalt  }
0x77: {  	_ =	shalt  }
0x78: {  	_ =	shalt  }
0x79: {  	_ =	shalt  }
0x7a: {  	_ =	shalt  }
0x7b: {  	_ =	shalt  }
0x7c: {  	_ =	shalt  }
0x7d: {  	_ =	shalt  }
0x7e: {  	_ =	shalt  }
0x7f: {  	_ =	shalt  }
0x80: {  	_ =	shalt  }
0x81: {  	_ =	shalt  }
0x82: {  	_ =	shalt  }
0x83: {  	_ =	shalt  }
0x84: {  	_ =	shalt  }
0x85: {  	_ =	shalt  }
0x86: {  	_ =	shalt  }
0x87: {  	_ =	shalt  }
.Lfunc_end0:
.L_simem_size_0:
called_computation_lowered:
.L_overlay_start_0:
0x88: {  	s2 =	sld [smem:$0x3FD9]  }
0x89: {  	s3 =	sld [smem:$0x3FFE];
	_ =	sdelay $0x1  }
0x8a: {  	s1 =	srdreg.scid  }
0x8b: {  	s0 =	sand.u32 $0x1, s1  }
0x8c: {  	s18 =	sshll.u32 s0, $0xA;
	s2 =	sadd.s32 s3, s2  }
0x8d: {  	s2 =	sadd.s32 s2, s18  }
0x8e: {  	[smem:$0x3FC7] =	sst s2  }
0x8f: {  	_ = 	snop  }
0x90: {  	s2 =	sld [smem:$0x3FC9]  }
0x91: {  	s19 =	sld [smem:$0x3FD0];
	(tm) =	ssettm $0x1  }
0x92: {  	s4 =	sld [smem:$0x3FFB];
	_ =	sdelay $0x3  }
0x93: {  	_ =	strace s4  }
0x94: {  	s4 =	sld [smem:$0x3FFC];
	_ =	sdelay $0x3  }
0x95: {  	_ =	strace s4  }
0x96: {  	s4 =	sld [smem:$0x3FFD];
	_ =	sdelay $0x3  }
0x97: {  	_ =	strace s4  }
0x98: {  	_ =	strace $0x8FFFFFFF  }
0x99: {  	s20 =	sld [smem:$0x3FDB];
	_ =	sdelay $0x1  }
0x9a: {  	s5 =	simm.s32 $_scs_section_size  }
0x9b: {  	s6 =	simm.s32 $_size__tile_overlayer_lowered;
	s7 =	simm.s32 $_tile_overlayer_lowered  }
0x9c: {  	s23 =	simm.s32 $0x1BFF;
	s22 =	sshll.u32 s7, $0x1;
	s4 =	sadd.s32 s5, s20  }
0x9d: {  	s8 =	simm.s32 $0x0;
	s21 =	sshll.u32 s6, $0x1;
	s6 =	sadd.s32 s22, s4  }
0x9e: {  	[timem:s8], [sflag:s23] =	dma.local [hbm:s6], s21  }
0x9f: {  	_ =	swait.ge [sflag:s23], s21  }
0xa0: {  	s5 =	ssub.s32 $0x0, s21;
	[sflag:s23] =	ssyncset.done $0x0  }
0xa1: {  	[sflag:s23] =	ssyncadd.s32 s5;
	_ =	sdelay $0x1  }
0xa2: {  	s24 =	simm.s32 $0x1B8B  }
0xa3: {  	_ =	swait.ge [sflag:s24], $0x1  }
0xa4: {  	[sflag:s24] =	ssyncset.done $0x0  }
0xa5: {  	s25 =	simm.s32 $0x1B8E;
	[sflag:s24] =	ssyncadd.s32 $0xFFFFFFFF  }
0xa6: {  	s26 =	simm.s32 $execute0_lowered;
	[smem:$0x3FD2] =	sst s25  }
0xa7: {  	s5 =	sshll.u32 s26, $0x1;
	_ =	strace $0x80000046;
	[dreg:$0x1] =	wrdreg $0xFFFFFFFF  }
0xa8: {  	s28 =	simm.s32 $_size_execute0_lowered;
	s4 =	sadd.s32 s4, s5;
	[dreg:$0x0] =	wrdreg $0x0  }
0xa9: {  	s5 =	sshll.u32 s28, $0x1;
	[dreg:$0x2] =	wrdreg s4  }
0xaa: {  	[dreg:$0x3] =	wrdreg s5  }
0xab: {  	[dreg:$0x4] =	wrdreg $0xC0  }
0xac: {  	_ =	task [dreg:s8], $0x5FFFF  }
0xad: {  	[dreg:$0x1] =	wrdreg $0xFFFFFFFF  }
0xae: {  	[dreg:$0x0] =	wrdreg $0x60  }
0xaf: {  	[dreg:$0x2] =	wrdreg s2  }
0xb0: {  	[dreg:$0x3] =	wrdreg s19  }
0xb1: {  	[dreg:$0x4] =	wrdreg $0x0  }
0xb2: {  	[dreg:$0x5] =	wrdreg $0x9  }
0xb3: {  	_ =	task.clear_ibuf [dreg:s8], $0x6FFFF;
	_ =	strace $0x90000046  }
0xb4: {  	s29 =	simm.s32 $0x9;
	_ =	strace $0x80000048  }
0xb5: {  	_ =	swait.ge [sflag:s29], $0x1  }
0xb6: {  	[sflag:s29] =	ssyncadd.s32 $0xFFFFFFFF  }
0xb7: {  	_ =	strace $0x90000048  }
0xb8: {  	_ =	sfence  }
0xb9: {  	s30 =	sld [smem:$0x0];
	_ =	sdelay $0x2  }
0xba: {  	s31 =	sshll.u32 s1, $0xD;
	s1 =	sshrl.u32 s1, $0x2  }
0xbb: {  	s3 =	sand.u32 $0x4000, s31;
	s1 =	sadd.s32 s1, s30  }
0xbc: {  	s0 =	sor.u32 s3, s0;
	s1 =	sshll.u32 s1, $0x11  }
0xbd: {  	s0 =	sor.u32 s1, s0  }
0xbe: {  	s0 =	sadd.s32 $0x8F2B, s0  }
0xbf: {  	[sflag:s0] =	ssyncadd.remote.s32 $0x1  }
0xc0: {  	_ =	sfence.sel $0xFFFF  }
0xc1: {  	[dreg:$0x0] =	wrdreg $0xFFFFFFFF;
	(pc) =	sbr.abs _section_cstart, $3  }
0xc2: {  	[dreg:$0x1] =	wrdreg $0xFFFFFFFF  }
0xc3: {  	_ =	task.clear_ibuf [dreg:s8], $0x2FFFF;
	_ =	strace $0x9FFFFFFF  }
0xc4: {  	(tm) =	ssettm $0x7FFFFFFF  }
0xc5: {  	_ =	shalt  }
tec
execute0_lowered:
.L_overlay_start_1:
0x0: {  	(tag) =	ssettag $0x1  }
0x1: {  	s5 =	rddreg [dreg:$0x0]  }
0x2: {  	s6 =	rddreg [dreg:$0x1]  }
0x3: {  	s2 =	rddreg [dreg:$0x2]  }
0x4: {  	s0 =	rddreg [dreg:$0x3]  }
0x5: {  	s4 =	srdreg.scid;
	s1 =	stileid.u32  }
0x6: {  	s3 =	simm.s32 $0x0;
	s12 =	simm.s32 $0x77C0;
	s13 =	simm.s32 $0xA5C0  }
0x7: {  	s14 =	simm.s32 $0x1;
	s15 =	simm.s32 $0x2;
	s16 =	simm.s32 $0x2800  }
0x8: {  	s4 =	sand.u32 $0x1, s4;
	s7 =	smul.u32 $0x2800, s1;
	[smem:$0x7FF] =	sst s3  }
0x9: {  	s9 =	smul.u32 $0x4EC, s1;
	s8 =	ssub.s32 $0x2, s4;
	_ =	strace $0x80000047  }
0xa: {  	s11 =	smul.u32 $0x5000, s4;
	s10 =	sshrl.u32 s8, $0x1;
	s4 =	sadd.s32 s7, s2  }
0xb: {  	s5 =	sadd.s32 s5, s9;
	s18 =	sshrl.u32 s7, $0x3;
	s7 =	simm.s32 $0x7DC0  }
0xc: {  	s9 =	simm.s32 $0x5000;
	s8 =	ssub.s32 s8, s10;
	s17 =	sadd.s32 s6, s11  }
0xd: {  	s10 =	simm.s32 $0x60;
	s11 =	simm.s32 $0x7760;
	s6 =	smax.u32 s8, $0x1  }
0xe: {  	v0 =	vimm.f32 $1.000000000e+00;
	v1 =	vimm.f32 $0.0e+00;
	s8 =	simm.s32 $0x3;
	s17 =	sadd.s32 s18, s17;
	s18 =	simm.s32 $0x0  }
.LBB2_1:
0xf: {  	s19 =	simm.s32 $0x0  }
.LBB2_2:
0x10: {  	p0 =	sne.s32 s19, $0x17C0  }
.Ltmp0:
0x11: {  	_ = 	snop;
	(pc) =	sbr.rel @p0 .LBB2_2-.Ltmp0, $3  }
0x12: {  	_ =	sdelay $0x1  }
0x13: {  	s20 =	sshra.s32 s19, $0x2  }
0x14: {  	s19 =	sadd.s32 $0x40, s19;
	[tilespmem:s20+$0x77C0] =	vst v0  }
0x15: {  	s19 =	simm.s32 $0x40;
	s20 =	simm.s32 $0x0  }
.LBB2_4:
0x16: {  	p0 =	sne.s32 s19, $0x9FC0;
	[tilespmem:s20+$0x7DC0] =	vst v1;
	s20 =	smov.u32 s19;
	s19 =	sadd.s32 $0x40, s19  }
.Ltmp1:
0x17: {  	(pc) =	sbr.rel @p0 .LBB2_4-.Ltmp1, $2  }
0x18: {  	_ =	sdelay $0x2  }
0x19: {  	s20 =	sshra.s32 s20, $0x2  }
0x1a: {  	[tilespmem:s20+$0x7DC0] =	vst v1  }
0x1b: {  	[spmem:s4] =	stream.linear.scatter [tilespmem:s7], [sflag:$0x3], $0x2800, $0x38;
	[tilespmem:$0xA620] =	vst v63  }
0x1c: {  	_ =	swait.ge [sflag:s8], $0x2800  }
0x1d: {  	[sflag:s8] =	ssyncset.done $0x0  }
0x1e: {  	[sflag:s8] =	ssyncadd.s32 $0xFFFFD800  }
0x1f: {  	[tilespmem:s9], [sflag:$0x3] =	stream.linear.gather [hbm4b:s5+s3], $0x2760, $0x38;
	[tilespmem:$0xA620] =	vst v63  }
0x20: {  	_ =	swait.ge [sflag:s8], $0x2760  }
0x21: {  	[sflag:s8] =	ssyncset.done $0x0  }
0x22: {  	[sflag:s8] =	ssyncadd.s32 $0xFFFFD8A0  }
0x23: {  	[bflag:$0x0] =	sbarrier.arrive $0xFFFF  }
0x24: {  	v2 =	vld [tilespmem:$0x5000]  }
0x25: {  	v3 =	vld [tilespmem:$0x5010]  }
0x26: {  	v4 =	vld [tilespmem:$0x5020]  }
0x27: {  	v5 =	vld [tilespmem:$0x5030]  }
0x28: {  	v6 =	vld [tilespmem:$0x5040]  }
0x29: {  	[tilespmem:$0x7760] =	vst v2;
	v2 =	vld [tilespmem:$0x5050]  }
0x2a: {  	[tilespmem:$0x7770] =	vst v3  }
0x2b: {  	[tilespmem:$0x7780] =	vst v4  }
0x2c: {  	[tilespmem:$0x7790] =	vst v5  }
0x2d: {  	[tilespmem:$0x77A0] =	vst v6  }
0x2e: {  	[tilespmem:$0x77B0] =	vst v2  }
0x2f: {  	[spmem:s2] =	stream.indirect.scatter.add.f32 [tilespmem:s12], [sflag:$0x1], $0x10, s11, s10, $0xb8;
	[tilespmem:$0xA620] =	vst v63  }
0x30: {  	v2 =	vld [tilespmem:$0x5060]  }
0x31: {  	v3 =	vld [tilespmem:$0x5070]  }
0x32: {  	v61 =	vld [tilespmem:$0x5080]  }
0x33: {  	v62 =	vld [tilespmem:$0x5090]  }
0x34: {  	v63 =	vld [tilespmem:$0x50A0]  }
0x35: {  	[tilespmem:$0xA5C0] =	vst v2;
	v2 =	vld [tilespmem:$0x50B0]  }
0x36: {  	[tilespmem:$0xA5D0] =	vst v3  }
0x37: {  	[tilespmem:$0xA5E0] =	vst v61  }
0x38: {  	[tilespmem:$0xA5F0] =	vst v62  }
0x39: {  	[tilespmem:$0xA600] =	vst v63  }
0x3a: {  	[tilespmem:$0xA610] =	vst v2  }
0x3b: {  	[spmem:s2] =	stream.indirect.scatter.add.f32 [tilespmem:s12], [sflag:$0x2], $0x10, s13, s10, $0xb8;
	[tilespmem:$0xA620] =	vst v63  }
0x3c: {  	_ =	swait.ge [sflag:s14], $0x600  }
0x3d: {  	[sflag:s14] =	ssyncset.done $0x0  }
0x3e: {  	s19 =	simm.s32 $0x170;
	[sflag:s14] =	ssyncadd.s32 $0xFFFFFA00  }
0x3f: {  	v2 =	vld [tilespmem:s19+$0x4F50];
	_ =	sdelay $0x4  }
0x40: {  	[tilespmem:$0x7760] =	vst v2  }
0x41: {  	v2 =	vld [tilespmem:s19+$0x4F60];
	_ =	sdelay $0x4  }
0x42: {  	[tilespmem:$0x7770] =	vst v2  }
0x43: {  	v2 =	vld [tilespmem:s19+$0x4F70];
	_ =	sdelay $0x4  }
0x44: {  	[tilespmem:$0x7780] =	vst v2  }
0x45: {  	v2 =	vld [tilespmem:s19+$0x4F80];
	_ =	sdelay $0x4  }
0x46: {  	[tilespmem:$0x7790] =	vst v2  }
0x47: {  	v2 =	vld [tilespmem:s19+$0x4F90];
	_ =	sdelay $0x4  }
0x48: {  	[tilespmem:$0x77A0] =	vst v2  }
0x49: {  	v2 =	vld [tilespmem:s19+$0x4FA0];
	_ =	sdelay $0x4  }
0x4a: {  	[tilespmem:$0x77B0] =	vst v2  }
0x4b: {  	[spmem:s2] =	stream.indirect.scatter.add.f32 [tilespmem:s12], [sflag:$0x1], $0x10, s11, s10, $0xb8;
	[tilespmem:$0xA620] =	vst v63  }
0x4c: {  	_ =	swait.ge [sflag:s15], $0x600  }
0x4d: {  	[sflag:s15] =	ssyncset.done $0x0  }
0x4e: {  	[sflag:s15] =	ssyncadd.s32 $0xFFFFFA00  }
0x4f: {  	v2 =	vld [tilespmem:s19+$0x4FB0];
	_ =	sdelay $0x4  }
0x50: {  	[tilespmem:$0xA5C0] =	vst v2  }
0x51: {  	v2 =	vld [tilespmem:s19+$0x4FC0];
	_ =	sdelay $0x4  }
0x52: {  	[tilespmem:$0xA5D0] =	vst v2  }
0x53: {  	v2 =	vld [tilespmem:s19+$0x4FD0];
	_ =	sdelay $0x4  }
0x54: {  	[tilespmem:$0xA5E0] =	vst v2  }
0x55: {  	v2 =	vld [tilespmem:s19+$0x4FE0];
	_ =	sdelay $0x4  }
0x56: {  	[tilespmem:$0xA5F0] =	vst v2  }
0x57: {  	v2 =	vld [tilespmem:s19+$0x4FF0];
	_ =	sdelay $0x4  }
0x58: {  	[tilespmem:$0xA600] =	vst v2  }
0x59: {  	v2 =	vld [tilespmem:s19+$0x5000];
	_ =	sdelay $0x4  }
0x5a: {  	s19 =	simm.s32 $0x8C0;
	[tilespmem:$0xA610] =	vst v2  }
.LBB2_6:
0x5b: {  	[spmem:s2] =	stream.indirect.scatter.add.f32 [tilespmem:s12], [sflag:$0x2], $0x10, s13, s10, $0xb8;
	[tilespmem:$0xA620] =	vst v63  }
0x5c: {  	s20 =	smov.u32 s19  }
0x5d: {  	p0 =	sne.s32 s19, $0x9BC0;
	s19 =	sadd.s32 $0x300, s19;
	_ =	swait.ge [sflag:s14], $0x600  }
0x5e: {  	[sflag:s14] =	ssyncset.done $0x0  }
0x5f: {  	s20 =	sshra.s32 s20, $0x2;
	[sflag:s14] =	ssyncadd.s32 $0xFFFFFA00  }
0x60: {  	v2 =	vld [tilespmem:s20+$0x4F50];
	_ =	sdelay $0x4  }
0x61: {  	[tilespmem:$0x7760] =	vst v2  }
0x62: {  	v2 =	vld [tilespmem:s20+$0x4F60];
	_ =	sdelay $0x4  }
0x63: {  	[tilespmem:$0x7770] =	vst v2  }
0x64: {  	v2 =	vld [tilespmem:s20+$0x4F70];
	_ =	sdelay $0x4  }
0x65: {  	[tilespmem:$0x7780] =	vst v2  }
0x66: {  	v2 =	vld [tilespmem:s20+$0x4F80];
	_ =	sdelay $0x4  }
0x67: {  	[tilespmem:$0x7790] =	vst v2  }
0x68: {  	v2 =	vld [tilespmem:s20+$0x4F90];
	_ =	sdelay $0x4  }
0x69: {  	[tilespmem:$0x77A0] =	vst v2  }
0x6a: {  	v2 =	vld [tilespmem:s20+$0x4FA0];
	_ =	sdelay $0x4  }
0x6b: {  	[tilespmem:$0x77B0] =	vst v2  }
0x6c: {  	[spmem:s2] =	stream.indirect.scatter.add.f32 [tilespmem:s12], [sflag:$0x1], $0x10, s11, s10, $0xb8;
	[tilespmem:$0xA620] =	vst v63  }
0x6d: {  	_ =	swait.ge [sflag:s15], $0x600  }
0x6e: {  	[sflag:s15] =	ssyncset.done $0x0  }
0x6f: {  	[sflag:s15] =	ssyncadd.s32 $0xFFFFFA00  }
0x70: {  	v2 =	vld [tilespmem:s20+$0x4FB0];
	_ =	sdelay $0x4  }
0x71: {  	[tilespmem:$0xA5C0] =	vst v2  }
0x72: {  	v2 =	vld [tilespmem:s20+$0x4FC0];
	_ =	sdelay $0x4  }
0x73: {  	[tilespmem:$0xA5D0] =	vst v2  }
0x74: {  	v2 =	vld [tilespmem:s20+$0x4FD0];
	_ =	sdelay $0x4  }
0x75: {  	[tilespmem:$0xA5E0] =	vst v2  }
0x76: {  	v2 =	vld [tilespmem:s20+$0x4FE0];
	_ =	sdelay $0x4  }
0x77: {  	[tilespmem:$0xA5F0] =	vst v2  }
0x78: {  	v2 =	vld [tilespmem:s20+$0x4FF0];
	_ =	sdelay $0x4  }
0x79: {  	[tilespmem:$0xA600] =	vst v2  }
0x7a: {  	v2 =	vld [tilespmem:s20+$0x5000]  }
.Ltmp2:
0x7b: {  	(pc) =	sbr.rel @p0 .LBB2_6-.Ltmp2, $2  }
0x7c: {  	_ =	sdelay $0x2  }
0x7d: {  	[tilespmem:$0xA610] =	vst v2  }
0x7e: {  	[spmem:s2] =	stream.indirect.scatter.add.f32 [tilespmem:s12], [sflag:$0x2], $0x10, s13, s10, $0xb8;
	[tilespmem:$0xA620] =	vst v63  }
0x7f: {  	_ =	swait.ge [sflag:s14], $0x600  }
0x80: {  	[sflag:s14] =	ssyncset.done $0x0  }
0x81: {  	[sflag:s14] =	ssyncadd.s32 $0xFFFFFA00  }
0x82: {  	v2 =	vld [tilespmem:$0x7700]  }
0x83: {  	v3 =	vld [tilespmem:$0x7710]  }
0x84: {  	v4 =	vld [tilespmem:$0x7720]  }
0x85: {  	v5 =	vld [tilespmem:$0x7730]  }
0x86: {  	v6 =	vld [tilespmem:$0x7740]  }
0x87: {  	[tilespmem:$0x7760] =	vst v2;
	v2 =	vld [tilespmem:$0x7750]  }
0x88: {  	[tilespmem:$0x7770] =	vst v3  }
0x89: {  	[tilespmem:$0x7780] =	vst v4  }
0x8a: {  	[tilespmem:$0x7790] =	vst v5  }
0x8b: {  	[tilespmem:$0x77A0] =	vst v6  }
0x8c: {  	[tilespmem:$0x77B0] =	vst v2  }
0x8d: {  	[spmem:s2] =	stream.indirect.scatter.add.f32 [tilespmem:s12], [sflag:$0x1], $0x10, s11, s10, $0xb8;
	[tilespmem:$0xA620] =	vst v63  }
0x8e: {  	_ =	swait.ge [sflag:s15], $0x600  }
0x8f: {  	[sflag:s15] =	ssyncset.done $0x0  }
0x90: {  	[sflag:s15] =	ssyncadd.s32 $0xFFFFFA00  }
0x91: {  	_ =	swait.ge [sflag:s14], $0x600  }
0x92: {  	[sflag:s14] =	ssyncset.done $0x0  }
0x93: {  	[sflag:s14] =	ssyncadd.s32 $0xFFFFFA00  }
0x94: {  	[bflag:$0x0] =	sbarrier.arrive $0xFFFF  }
0x95: {  	[tilespmem:s16], [sflag:$0x3] =	stream.linear.gather [spmem:s4], $0x2800, $0x38;
	[tilespmem:$0xA620] =	vst v63  }
0x96: {  	s18 =	sadd.s32 $0x1, s18;
	_ =	swait.ge [sflag:s8], $0x2800  }
0x97: {  	p0 =	sne.s32 s18, s6;
	[sflag:s8] =	ssyncset.done $0x0  }
.Ltmp3:
0x98: {  	[sflag:s8] =	ssyncadd.s32 $0xFFFFD800;
	(pc) =	sbr.rel @p0 .LBB2_1-.Ltmp3, $4  }
0x99: {  	[hbm4b:s17+s3] =	stream.linear.scatter [tilespmem:s16], [sflag:$0x3], $0x2800, $0x38;
	[tilespmem:$0xA620] =	vst v63  }
0x9a: {  	_ =	swait.ge [sflag:s8], $0x2800  }
0x9b: {  	[sflag:s8] =	ssyncset.done $0x0  }
0x9c: {  	[sflag:s8] =	ssyncadd.s32 $0xFFFFD800  }
0x9d: {  	_ =	sfence.sel $0x180000  }
0x9e: {  	[bflag:$0x0] =	sbarrier.arrive $0xFFFF  }
0x9f: {  	p0 =	sne.s32 s1, $0x0;
	_ =	strace $0x90000047  }
0xa0: {  	s0 =	sadd.s32 @!p0 $0x100000, s0;
	[bflag:$0x2] =	sbarrier.arrive $0xFFFF  }
0xa1: {  	[sflag:s0] =	ssyncadd.tile.s32 @!p0 $0x1;
	_ =	shalt  }
.Lfunc_end2:
_tile_overlayer_lowered:
.L_overlay_start_2:
0xa2: {  	(tag) =	ssettag $0x2  }
0xa3: {  	s0 =	rddreg [dreg:$0x0];
	s2 =	stileid.u32  }
0xa4: {  	s1 =	rddreg [dreg:$0x1];
	p0 =	sne.s32 s2, $0x0  }
0xa5: {  	s3 =	rddreg [dreg:$0x2];
	[bflag:$0x3] =	sbarrier.arrive $0xFFFF;
	s2 =	simm.s32 @!p0 $0x1C03  }
0xa6: {  	[timem:s3], [sflag:s2] =	dma.local @!p0 [hbm:s0], s1  }
0xa7: {  	s0 =	simm.s32 @!p0 $0x3  }
0xa8: {  	_ =	swait.ge @!p0 [sflag:s0], s1  }
0xa9: {  	s1 =	ssub.s32 @!p0 $0x0, s1;
	[sflag:s0] =	ssyncset.done @!p0 $0x0  }
0xaa: {  	[sflag:s0] =	ssyncadd.s32 @!p0 s1  }
0xab: {  	[bflag:$0x3] =	sbarrier.arrive $0xFFFF  }
0xac: {  	_ =	shalt  }

</sc_bundles>
